<compile_context>
chip_gen: v7x
topology: tpu7x:2x2x1
jax: 0.10.2.dev20260603
libtpu: 0.0.44.dev20260713+nightly
codegen_flags: <defaults>
</compile_context>

<pallas_src>
import jax
import jax.numpy as jnp
from jax import lax
from jax.experimental import pallas as pl
from jax.experimental.pallas import tpu as pltpu
from jax.experimental.pallas import tpu_sc as plsc

_GRID = 128
_N = 2097152
_NC = 2
_NS = 16
_NW = _NC * _NS
_P = _N // _NW
_C = 2048
_NCHUNK = _P // _C
_NPAIR = _NCHUNK // 2
_L = 16


def _pack_body(g_ref, o_ref):
    g = g_ref[...]
    col = lax.broadcasted_iota(jnp.int32, g.shape, 1)
    nxt = jnp.where(col < _GRID - 1, pltpu.roll(g, _GRID - 1, 1), g)
    ua = lax.bitcast_convert_type(g, jnp.uint32)
    ub = lax.bitcast_convert_type(nxt, jnp.uint32)
    ua = ua + jnp.uint32(0x7FFF) + ((ua >> 16) & jnp.uint32(1))
    ub = ub + jnp.uint32(0x7FFF) + ((ub >> 16) & jnp.uint32(1))
    w = (ua & jnp.uint32(0xFFFF0000)) | (ub >> 16)
    o_ref[...] = lax.bitcast_convert_type(w, jnp.int32)


def _tec_body(cx_hbm, cy_hbm, cz_hbm, tab_hbm, out_hbm, *scr):
    A = scr[0:15]
    B = scr[15:30]
    csemA, csemB, gsemA, gsemB, osemA, osemB = scr[30:36]
    wid = lax.axis_index("s") * _NC + lax.axis_index("c")
    base = wid * _P

    coords_hbm = (cx_hbm, cy_hbm, cz_hbm)

    def fire_coords(bufs, sem, c):
        off = base + c * _C
        for h, d in zip(coords_hbm, bufs[0:3]):
            pltpu.async_copy(h.at[pl.ds(off, _C)], d, sem)

    def drain_coords(bufs, sem):
        for h, d in zip(coords_hbm, bufs[0:3]):
            pltpu.make_async_copy(h.at[pl.ds(0, _C)], d, sem).wait()

    def pass1(bufs):
        cx, cy, cz, wx, wy, wz = bufs[0:6]
        idx0, idx1, idx2, idx3 = bufs[7:11]

        def body(i, carry):
            s = pl.ds(i * _L, _L)
            fx = jnp.clip(cx[s] * 64.0 + 63.5, 0.0, 127.0)
            fy = jnp.clip(cy[s] * 64.0 + 63.5, 0.0, 127.0)
            fz = jnp.clip(cz[s] * 64.0 + 63.5, 0.0, 127.0)
            x0 = fx.astype(jnp.int32)
            y0 = fy.astype(jnp.int32)
            z0 = fz.astype(jnp.int32)
            wx[s] = fx - x0.astype(jnp.float32)
            wy[s] = fy - y0.astype(jnp.float32)
            wz[s] = fz - z0.astype(jnp.float32)
            dy = (jnp.minimum(y0 + 1, 127) - y0) * 128
            dz = (jnp.minimum(z0 + 1, 127) - z0) * 16384
            f00 = z0 * 16384 + y0 * 128 + x0
            idx0[s] = f00
            idx1[s] = f00 + dy
            idx2[s] = f00 + dz
            idx3[s] = f00 + dz + dy
            return carry

        lax.fori_loop(0, _C // _L, body, 0)

    def fire_gathers(bufs, sem):
        for ix, v in zip(bufs[7:11], bufs[11:15]):
            pltpu.async_copy(tab_hbm.at[ix], v, sem)

    def drain_gathers(bufs, sem):
        for ix, v in zip(bufs[7:11], bufs[11:15]):
            pltpu.make_async_copy(tab_hbm.at[ix], v, sem).wait()

    def pass3(bufs):
        wx, wy, wz, acc = bufs[3:7]
        v0, v1, v2, v3 = bufs[11:15]

        def body(i, carry):
            s = pl.ds(i * _L, _L)
            fx = wx[s]
            fy = wy[s]
            fz = wz[s]
            hi = jnp.int32(-65536)

            def lerp_x(w):
                a = lax.bitcast_convert_type(w & hi, jnp.float32)
                b = lax.bitcast_convert_type(w << 16, jnp.float32)
                return a + fx * (b - a)

            l00 = lerp_x(v0[s])
            l01 = lerp_x(v1[s])
            l10 = lerp_x(v2[s])
            l11 = lerp_x(v3[s])
            m0 = l00 + fy * (l01 - l00)
            m1 = l10 + fy * (l11 - l10)
            acc[s] = m0 + fz * (m1 - m0)
            return carry

        lax.fori_loop(0, _C // _L, body, 0)

    def fire_out(bufs, sem, c):
        off = base + c * _C
        pltpu.async_copy(bufs[6], out_hbm.at[pl.ds(off, _C)], sem)

    def drain_out(bufs, sem):
        pltpu.make_async_copy(bufs[6], out_hbm.at[pl.ds(0, _C)], sem).wait()

    fire_coords(A, csemA, 0)

    def pair_body(kk, carry):
        c0 = 2 * kk

        fire_coords(B, csemB, c0 + 1)
        drain_coords(A, csemA)
        pass1(A)
        fire_gathers(A, gsemA)

        @pl.when(kk > 1)
        def _drain_out_b():
            drain_out(B, osemB)

        @pl.when(kk > 0)
        def _older_b():
            drain_gathers(B, gsemB)
            pass3(B)
            fire_out(B, osemB, c0 - 1)

        @pl.when(kk < _NPAIR - 1)
        def _prefetch_a():
            fire_coords(A, csemA, c0 + 2)

        drain_coords(B, csemB)
        pass1(B)
        fire_gathers(B, gsemB)

        drain_gathers(A, gsemA)

        @pl.when(kk > 0)
        def _drain_out_a():
            drain_out(A, osemA)

        pass3(A)
        fire_out(A, osemA, c0)
        return carry

    lax.fori_loop(0, _NPAIR, pair_body, 0)

    drain_gathers(B, gsemB)
    drain_out(B, osemB)
    pass3(B)
    fire_out(B, osemB, _NCHUNK - 1)
    drain_out(A, osemA)
    drain_out(B, osemB)


def kernel(x, base_grid):
    g2d = base_grid.reshape(_GRID * _GRID, _GRID)
    packed = pl.pallas_call(
        _pack_body,
        grid=(8,),
        in_specs=[pl.BlockSpec((_GRID * _GRID // 8, _GRID), lambda i: (i, 0))],
        out_specs=pl.BlockSpec((_GRID * _GRID // 8, _GRID), lambda i: (i, 0)),
        out_shape=jax.ShapeDtypeStruct((_GRID * _GRID, _GRID), jnp.int32),
    )(g2d)
    table = packed.reshape(-1)
    bufset = ([pltpu.VMEM((_C,), jnp.float32) for _ in range(7)]
              + [pltpu.VMEM((_C,), jnp.int32) for _ in range(8)])
    f = pl.kernel(
        _tec_body,
        out_type=jax.ShapeDtypeStruct((_N,), jnp.float32),
        mesh=plsc.VectorSubcoreMesh(core_axis_name="c", subcore_axis_name="s"),
        scratch_types=(bufset + bufset
                       + [pltpu.SemaphoreType.DMA for _ in range(6)]),
    )
    return f(x[:, 0], x[:, 1], x[:, 2], table)

# --- scband reference (transcript-rebuilt; emitter-appended) ---
"""Pipeline reference for scband-scalar-grid-layer-14379550507516 (READ-ONLY COPY).

The authoritative reference and input builder live on the scoring server;
editing this copy changes nothing except your own understanding.
"""

import jax, jax.numpy as jnp
import numpy as np

GRID_LEN = 128
N = 2097152


def setup_inputs(seed: int = 0) -> dict:
    key = jax.random.key(seed)
    k1, k2 = jax.random.split(key)
    # fill=rand: uniform coordinates; scaled to the valid grid_sample range [-1, 1]
    x = jax.random.uniform(k1, (N, 3), dtype=jnp.float32, minval=-1.0, maxval=1.0)
    # learned parameter: base_grid of shape (L, L, L, 1), init noise 0.01
    base_grid = jax.random.normal(k2, (GRID_LEN, GRID_LEN, GRID_LEN, 1), dtype=jnp.float32) * 0.01
    return {"x": x, "base_grid": base_grid}


def _trilinear_border(grid3d, coords):
    # grid3d: (D, H, W) scalar field; coords: (N, 3) in torch grid_sample (x, y, z) order
    # matches torch.nn.functional.grid_sample(align_corners=False, padding_mode='border')
    D, H, W = grid3d.shape
    ix = ((coords[:, 0] + 1.0) * W - 1.0) / 2.0
    iy = ((coords[:, 1] + 1.0) * H - 1.0) / 2.0
    iz = ((coords[:, 2] + 1.0) * D - 1.0) / 2.0
    # border padding: clip the source coordinate before interpolation
    ix = jnp.clip(ix, 0.0, W - 1.0)
    iy = jnp.clip(iy, 0.0, H - 1.0)
    iz = jnp.clip(iz, 0.0, D - 1.0)
    x0 = jnp.floor(ix)
    y0 = jnp.floor(iy)
    z0 = jnp.floor(iz)
    wx = ix - x0
    wy = iy - y0
    wz = iz - z0
    x0i = jnp.clip(x0.astype(jnp.int32), 0, W - 1)
    y0i = jnp.clip(y0.astype(jnp.int32), 0, H - 1)
    z0i = jnp.clip(z0.astype(jnp.int32), 0, D - 1)
    x1i = jnp.clip(x0i + 1, 0, W - 1)
    y1i = jnp.clip(y0i + 1, 0, H - 1)
    z1i = jnp.clip(z0i + 1, 0, D - 1)

    def g(zi, yi, xi):
        return grid3d[zi, yi, xi]

    c000 = g(z0i, y0i, x0i)
    c001 = g(z0i, y0i, x1i)
    c010 = g(z0i, y1i, x0i)
    c011 = g(z0i, y1i, x1i)
    c100 = g(z1i, y0i, x0i)
    c101 = g(z1i, y0i, x1i)
    c110 = g(z1i, y1i, x0i)
    c111 = g(z1i, y1i, x1i)

    out = (c000 * (1 - wz) * (1 - wy) * (1 - wx)
           + c001 * (1 - wz) * (1 - wy) * wx
           + c010 * (1 - wz) * wy * (1 - wx)
           + c011 * (1 - wz) * wy * wx
           + c100 * wz * (1 - wy) * (1 - wx)
           + c101 * wz * (1 - wy) * wx
           + c110 * wz * wy * (1 - wx)
           + c111 * wz * wy * wx)
    return out


def reference(x, base_grid):
    # base_grid (L,L,L,1) -> permute(3,0,1,2) -> image (1,1,D,H,W); image[0,0,d,h,w] = base_grid[d,h,w,0]
    grid3d = base_grid[..., 0]
    # grid_sample on samples view(1,1,1,-1,3) then squeeze -> (N,)
    return _trilinear_border(grid3d, x)

if __name__ == "__main__":
    import jax
    _d = setup_inputs()
    print(jax.jit(kernel)(*tuple(_d.values())))

</pallas_src>

<mosaic_0001>
#map = affine_map<(d0, d1) -> (0)>
module attributes {stable_mosaic.version = 14 : i64} {
  func.func @_tec_body(%arg0: i32, %arg1: i32, %arg2: memref<2097152xf32, #tpu.memory_space<hbm>>, %arg3: memref<2097152xf32, #tpu.memory_space<hbm>>, %arg4: memref<2097152xf32, #tpu.memory_space<hbm>>, %arg5: memref<2097152xi32, #tpu.memory_space<hbm>>, %arg6: memref<2097152xf32, #tpu.memory_space<hbm>>, %arg7: memref<2048xf32, #tpu.memory_space<vmem>>, %arg8: memref<2048xf32, #tpu.memory_space<vmem>>, %arg9: memref<2048xf32, #tpu.memory_space<vmem>>, %arg10: memref<2048xf32, #tpu.memory_space<vmem>>, %arg11: memref<2048xf32, #tpu.memory_space<vmem>>, %arg12: memref<2048xf32, #tpu.memory_space<vmem>>, %arg13: memref<2048xf32, #tpu.memory_space<vmem>>, %arg14: memref<2048xi32, #tpu.memory_space<vmem>>, %arg15: memref<2048xi32, #tpu.memory_space<vmem>>, %arg16: memref<2048xi32, #tpu.memory_space<vmem>>, %arg17: memref<2048xi32, #tpu.memory_space<vmem>>, %arg18: memref<2048xi32, #tpu.memory_space<vmem>>, %arg19: memref<2048xi32, #tpu.memory_space<vmem>>, %arg20: memref<2048xi32, #tpu.memory_space<vmem>>, %arg21: memref<2048xi32, #tpu.memory_space<vmem>>, %arg22: memref<2048xf32, #tpu.memory_space<vmem>>, %arg23: memref<2048xf32, #tpu.memory_space<vmem>>, %arg24: memref<2048xf32, #tpu.memory_space<vmem>>, %arg25: memref<2048xf32, #tpu.memory_space<vmem>>, %arg26: memref<2048xf32, #tpu.memory_space<vmem>>, %arg27: memref<2048xf32, #tpu.memory_space<vmem>>, %arg28: memref<2048xf32, #tpu.memory_space<vmem>>, %arg29: memref<2048xi32, #tpu.memory_space<vmem>>, %arg30: memref<2048xi32, #tpu.memory_space<vmem>>, %arg31: memref<2048xi32, #tpu.memory_space<vmem>>, %arg32: memref<2048xi32, #tpu.memory_space<vmem>>, %arg33: memref<2048xi32, #tpu.memory_space<vmem>>, %arg34: memref<2048xi32, #tpu.memory_space<vmem>>, %arg35: memref<2048xi32, #tpu.memory_space<vmem>>, %arg36: memref<2048xi32, #tpu.memory_space<vmem>>, %arg37: memref<!tpu.dma_semaphore, #tpu.memory_space<semaphore_mem>>, %arg38: memref<!tpu.dma_semaphore, #tpu.memory_space<semaphore_mem>>, %arg39: memref<!tpu.dma_semaphore, #tpu.memory_space<semaphore_mem>>, %arg40: memref<!tpu.dma_semaphore, #tpu.memory_space<semaphore_mem>>, %arg41: memref<!tpu.dma_semaphore, #tpu.memory_space<semaphore_mem>>, %arg42: memref<!tpu.dma_semaphore, #tpu.memory_space<semaphore_mem>>) attributes {dimension_semantics = [#tpu.dimension_semantics<core_parallel>, #tpu.dimension_semantics<subcore_parallel>], iteration_bounds = array<i64: 2, 16>, scalar_prefetch = 0 : i64, scratch_operands = 36 : i64, tpu.core_type = #tpu.core_type<sc_vector_subcore>, window_params = [{transform_indices = #map}, {transform_indices = #map}, {transform_indices = #map}, {transform_indices = #map}, {transform_indices = #map}]} {
    %mul3A = arith.constant 2 : i32
    %mul3A_0 = arith.muli %arg1, %mul3A : i32
    %add3A = arith.addi %mul3A_0, %arg0 : i32
    %mul3A_1 = arith.constant 65536 : i32
    %mul3A_2 = arith.muli %add3A, %mul3A_1 : i32
    %add3A_3 = arith.constant 0 : i32
    %add3A_4 = arith.addi %mul3A_2, %add3A_3 : i32
    %dma_start3A = tpu.memref_slice %arg2[%add3A_4] : memref<2097152xf32, #tpu.memory_space<hbm>> -> memref<2048xf32, #tpu.memory_space<hbm>>
    %dma_start3A_5 = tpu.memref_slice %arg2[%add3A_4] : memref<2097152xf32, #tpu.memory_space<hbm>> -> memref<2048xf32, #tpu.memory_space<hbm>>
    tpu.enqueue_dma source(%dma_start3A_5 : memref<2048xf32, #tpu.memory_space<hbm>>) target(%arg7 : memref<2048xf32, #tpu.memory_space<vmem>>) target_semaphore(%arg37 : memref<!tpu.dma_semaphore, #tpu.memory_space<semaphore_mem>>)
    %dma_start3A_6 = tpu.memref_slice %arg3[%add3A_4] : memref<2097152xf32, #tpu.memory_space<hbm>> -> memref<2048xf32, #tpu.memory_space<hbm>>
    %dma_start3A_7 = tpu.memref_slice %arg3[%add3A_4] : memref<2097152xf32, #tpu.memory_space<hbm>> -> memref<2048xf32, #tpu.memory_space<hbm>>
    tpu.enqueue_dma source(%dma_start3A_7 : memref<2048xf32, #tpu.memory_space<hbm>>) target(%arg8 : memref<2048xf32, #tpu.memory_space<vmem>>) target_semaphore(%arg37 : memref<!tpu.dma_semaphore, #tpu.memory_space<semaphore_mem>>)
    %dma_start3A_8 = tpu.memref_slice %arg4[%add3A_4] : memref<2097152xf32, #tpu.memory_space<hbm>> -> memref<2048xf32, #tpu.memory_space<hbm>>
    %dma_start3A_9 = tpu.memref_slice %arg4[%add3A_4] : memref<2097152xf32, #tpu.memory_space<hbm>> -> memref<2048xf32, #tpu.memory_space<hbm>>
    tpu.enqueue_dma source(%dma_start3A_9 : memref<2048xf32, #tpu.memory_space<hbm>>) target(%arg9 : memref<2048xf32, #tpu.memory_space<vmem>>) target_semaphore(%arg37 : memref<!tpu.dma_semaphore, #tpu.memory_space<semaphore_mem>>)
    %scan3A = arith.constant 0 : i32
    %scan3A_10 = arith.constant 0 : i32
    %scan3A_11 = arith.constant 16 : i32
    %scan3A_12 = arith.addi %scan3A_10, %scan3A_11 : i32
    %scan3A_13 = arith.constant 1 : i32
    scf.for %scan3A_44 = %scan3A_10 to %scan3A_12 step %scan3A_13  : i32 {
      %mul3A_45 = arith.constant 2 : i32
      %mul3A_46 = arith.muli %mul3A_45, %scan3A_44 : i32
      %add3A_47 = arith.constant 1 : i32
      %add3A_48 = arith.addi %mul3A_46, %add3A_47 : i32
      %mul3A_49 = arith.constant 2048 : i32
      %mul3A_50 = arith.muli %add3A_48, %mul3A_49 : i32
      %add3A_51 = arith.addi %mul3A_2, %mul3A_50 : i32
      %dma_start3A_52 = tpu.memref_slice %arg2[%add3A_51] : memref<2097152xf32, #tpu.memory_space<hbm>> -> memref<2048xf32, #tpu.memory_space<hbm>>
      %dma_start3A_53 = tpu.memref_slice %arg2[%add3A_51] : memref<2097152xf32, #tpu.memory_space<hbm>> -> memref<2048xf32, #tpu.memory_space<hbm>>
      tpu.enqueue_dma source(%dma_start3A_53 : memref<2048xf32, #tpu.memory_space<hbm>>) target(%arg22 : memref<2048xf32, #tpu.memory_space<vmem>>) target_semaphore(%arg38 : memref<!tpu.dma_semaphore, #tpu.memory_space<semaphore_mem>>)
      %dma_start3A_54 = tpu.memref_slice %arg3[%add3A_51] : memref<2097152xf32, #tpu.memory_space<hbm>> -> memref<2048xf32, #tpu.memory_space<hbm>>
      %dma_start3A_55 = tpu.memref_slice %arg3[%add3A_51] : memref<2097152xf32, #tpu.memory_space<hbm>> -> memref<2048xf32, #tpu.memory_space<hbm>>
      tpu.enqueue_dma source(%dma_start3A_55 : memref<2048xf32, #tpu.memory_space<hbm>>) target(%arg23 : memref<2048xf32, #tpu.memory_space<vmem>>) target_semaphore(%arg38 : memref<!tpu.dma_semaphore, #tpu.memory_space<semaphore_mem>>)
      %dma_start3A_56 = tpu.memref_slice %arg4[%add3A_51] : memref<2097152xf32, #tpu.memory_space<hbm>> -> memref<2048xf32, #tpu.memory_space<hbm>>
      %dma_start3A_57 = tpu.memref_slice %arg4[%add3A_51] : memref<2097152xf32, #tpu.memory_space<hbm>> -> memref<2048xf32, #tpu.memory_space<hbm>>
      tpu.enqueue_dma source(%dma_start3A_57 : memref<2048xf32, #tpu.memory_space<hbm>>) target(%arg24 : memref<2048xf32, #tpu.memory_space<vmem>>) target_semaphore(%arg38 : memref<!tpu.dma_semaphore, #tpu.memory_space<semaphore_mem>>)
      %dma_wait3A_58 = arith.constant 0 : i32
      %dma_wait3A_59 = tpu.memref_slice %arg2[%dma_wait3A_58] : memref<2097152xf32, #tpu.memory_space<hbm>> -> memref<2048xf32, #tpu.memory_space<hbm>>
      %dma_wait3A_60 = arith.constant 0 : i32
      %dma_wait3A_61 = tpu.memref_slice %arg2[%dma_wait3A_60] : memref<2097152xf32, #tpu.memory_space<hbm>> -> memref<2048xf32, #tpu.memory_space<hbm>>
      tpu.wait_dma2 semaphore(%arg37 : memref<!tpu.dma_semaphore, #tpu.memory_space<semaphore_mem>>) src(%dma_wait3A_61 : memref<2048xf32, #tpu.memory_space<hbm>>) dst(%arg7 : memref<2048xf32, #tpu.memory_space<vmem>>)
      %dma_wait3A_62 = arith.constant 0 : i32
      %dma_wait3A_63 = tpu.memref_slice %arg3[%dma_wait3A_62] : memref<2097152xf32, #tpu.memory_space<hbm>> -> memref<2048xf32, #tpu.memory_space<hbm>>
      %dma_wait3A_64 = arith.constant 0 : i32
      %dma_wait3A_65 = tpu.memref_slice %arg3[%dma_wait3A_64] : memref<2097152xf32, #tpu.memory_space<hbm>> -> memref<2048xf32, #tpu.memory_space<hbm>>
      tpu.wait_dma2 semaphore(%arg37 : memref<!tpu.dma_semaphore, #tpu.memory_space<semaphore_mem>>) src(%dma_wait3A_65 : memref<2048xf32, #tpu.memory_space<hbm>>) dst(%arg8 : memref<2048xf32, #tpu.memory_space<vmem>>)
      %dma_wait3A_66 = arith.constant 0 : i32
      %dma_wait3A_67 = tpu.memref_slice %arg4[%dma_wait3A_66] : memref<2097152xf32, #tpu.memory_space<hbm>> -> memref<2048xf32, #tpu.memory_space<hbm>>
      %dma_wait3A_68 = arith.constant 0 : i32
      %dma_wait3A_69 = tpu.memref_slice %arg4[%dma_wait3A_68] : memref<2097152xf32, #tpu.memory_space<hbm>> -> memref<2048xf32, #tpu.memory_space<hbm>>
      tpu.wait_dma2 semaphore(%arg37 : memref<!tpu.dma_semaphore, #tpu.memory_space<semaphore_mem>>) src(%dma_wait3A_69 : memref<2048xf32, #tpu.memory_space<hbm>>) dst(%arg9 : memref<2048xf32, #tpu.memory_space<vmem>>)
      %scan3A_70 = arith.constant 0 : i32
      %scan3A_71 = arith.constant 0 : i32
      %scan3A_72 = arith.constant 128 : i32
      %scan3A_73 = arith.addi %scan3A_71, %scan3A_72 : i32
      %scan3A_74 = arith.constant 1 : i32
      scf.for %scan3A_145 = %scan3A_71 to %scan3A_73 step %scan3A_74  : i32 {
        %mul3A_146 = arith.constant 16 : i32
        %mul3A_147 = arith.muli %scan3A_145, %mul3A_146 : i32
        %get3A = arith.index_cast %mul3A_147 : i32 to index
        %get3A_148 = tpu.vector_load %arg7[%get3A] {strides = array<i32>} : memref<2048xf32, #tpu.memory_space<vmem>>, vector<16xf32>,
        %get3A_149 = vector.shape_cast %get3A_148 : vector<16xf32> to vector<16xf32>
        %mul3A_150 = arith.constant 6.400000e+01 : f32
        %mul3A_151 = vector.broadcast %mul3A_150 : f32 to vector<16xf32>
        %mul3A_152 = arith.mulf %get3A_149, %mul3A_151 : vector<16xf32>
        %add3A_153 = arith.constant 6.350000e+01 : f32
        %add3A_154 = vector.broadcast %add3A_153 : f32 to vector<16xf32>
        %add3A_155 = arith.addf %mul3A_152, %add3A_154 : vector<16xf32>
        %jit3A = arith.constant 0.000000e+00 : f32
        %jit3A_156 = arith.constant 1.270000e+02 : f32
        %max3A = vector.broadcast %jit3A : f32 to vector<16xf32>
        %max3A_157 = arith.maximumf %max3A, %add3A_155 : vector<16xf32>
        %min3A = vector.broadcast %jit3A_156 : f32 to vector<16xf32>
        %min3A_158 = arith.minimumf %min3A, %max3A_157 : vector<16xf32>
        %get3A_159 = arith.index_cast %mul3A_147 : i32 to index
        %get3A_160 = tpu.vector_load %arg8[%get3A_159] {strides = array<i32>} : memref<2048xf32, #tpu.memory_space<vmem>>, vector<16xf32>,
        %get3A_161 = vector.shape_cast %get3A_160 : vector<16xf32> to vector<16xf32>
        %mul3A_162 = arith.constant 6.400000e+01 : f32
        %mul3A_163 = vector.broadcast %mul3A_162 : f32 to vector<16xf32>
        %mul3A_164 = arith.mulf %get3A_161, %mul3A_163 : vector<16xf32>
        %add3A_165 = arith.constant 6.350000e+01 : f32
        %add3A_166 = vector.broadcast %add3A_165 : f32 to vector<16xf32>
        %add3A_167 = arith.addf %mul3A_164, %add3A_166 : vector<16xf32>
        %jit3A_168 = arith.constant 0.000000e+00 : f32
        %jit3A_169 = arith.constant 1.270000e+02 : f32
        %max3A_170 = vector.broadcast %jit3A_168 : f32 to vector<16xf32>
        %max3A_171 = arith.maximumf %max3A_170, %add3A_167 : vector<16xf32>
        %min3A_172 = vector.broadcast %jit3A_169 : f32 to vector<16xf32>
        %min3A_173 = arith.minimumf %min3A_172, %max3A_171 : vector<16xf32>
        %get3A_174 = arith.index_cast %mul3A_147 : i32 to index
        %get3A_175 = tpu.vector_load %arg9[%get3A_174] {strides = array<i32>} : memref<2048xf32, #tpu.memory_space<vmem>>, vector<16xf32>,
        %get3A_176 = vector.shape_cast %get3A_175 : vector<16xf32> to vector<16xf32>
        %mul3A_177 = arith.constant 6.400000e+01 : f32
        %mul3A_178 = vector.broadcast %mul3A_177 : f32 to vector<16xf32>
        %mul3A_179 = arith.mulf %get3A_176, %mul3A_178 : vector<16xf32>
        %add3A_180 = arith.constant 6.350000e+01 : f32
        %add3A_181 = vector.broadcast %add3A_180 : f32 to vector<16xf32>
        %add3A_182 = arith.addf %mul3A_179, %add3A_181 : vector<16xf32>
        %jit3A_183 = arith.constant 0.000000e+00 : f32
        %jit3A_184 = arith.constant 1.270000e+02 : f32
        %max3A_185 = vector.broadcast %jit3A_183 : f32 to vector<16xf32>
        %max3A_186 = arith.maximumf %max3A_185, %add3A_182 : vector<16xf32>
        %min3A_187 = vector.broadcast %jit3A_184 : f32 to vector<16xf32>
        %min3A_188 = arith.minimumf %min3A_187, %max3A_186 : vector<16xf32>
        %convert_element_type3A_189 = arith.fptosi %min3A_158 : vector<16xf32> to vector<16xi32>
        %convert_element_type3A_190 = arith.fptosi %min3A_173 : vector<16xf32> to vector<16xi32>
        %convert_element_type3A_191 = arith.fptosi %min3A_188 : vector<16xf32> to vector<16xi32>
        %convert_element_type3A_192 = arith.sitofp %convert_element_type3A_189 : vector<16xi32> to vector<16xf32>
        %sub3A = arith.subf %min3A_158, %convert_element_type3A_192 : vector<16xf32>
        %swap3A = arith.index_cast %mul3A_147 : i32 to index
        %swap3A_193 = tpu.vector_load %arg10[%swap3A] {strides = array<i32>} : memref<2048xf32, #tpu.memory_space<vmem>>, vector<16xf32>,
        %swap3A_194 = vector.shape_cast %swap3A_193 : vector<16xf32> to vector<16xf32>
        %swap3A_195 = vector.shape_cast %sub3A : vector<16xf32> to vector<16xf32>
        tpu.vector_store %arg10[%swap3A], %swap3A_195 {strides = array<i32>} : memref<2048xf32, #tpu.memory_space<vmem>>, vector<16xf32>,
        %convert_element_type3A_196 = arith.sitofp %convert_element_type3A_190 : vector<16xi32> to vector<16xf32>
        %sub3A_197 = arith.subf %min3A_173, %convert_element_type3A_196 : vector<16xf32>
        %swap3A_198 = arith.index_cast %mul3A_147 : i32 to index
        %swap3A_199 = tpu.vector_load %arg11[%swap3A_198] {strides = array<i32>} : memref<2048xf32, #tpu.memory_space<vmem>>, vector<16xf32>,
        %swap3A_200 = vector.shape_cast %swap3A_199 : vector<16xf32> to vector<16xf32>
        %swap3A_201 = vector.shape_cast %sub3A_197 : vector<16xf32> to vector<16xf32>
        tpu.vector_store %arg11[%swap3A_198], %swap3A_201 {strides = array<i32>} : memref<2048xf32, #tpu.memory_space<vmem>>, vector<16xf32>,
        %convert_element_type3A_202 = arith.sitofp %convert_element_type3A_191 : vector<16xi32> to vector<16xf32>
        %sub3A_203 = arith.subf %min3A_188, %convert_element_type3A_202 : vector<16xf32>
        %swap3A_204 = arith.index_cast %mul3A_147 : i32 to index
        %swap3A_205 = tpu.vector_load %arg12[%swap3A_204] {strides = array<i32>} : memref<2048xf32, #tpu.memory_space<vmem>>, vector<16xf32>,
        %swap3A_206 = vector.shape_cast %swap3A_205 : vector<16xf32> to vector<16xf32>
        %swap3A_207 = vector.shape_cast %sub3A_203 : vector<16xf32> to vector<16xf32>
        tpu.vector_store %arg12[%swap3A_204], %swap3A_207 {strides = array<i32>} : memref<2048xf32, #tpu.memory_space<vmem>>, vector<16xf32>,
        %add3A_208 = arith.constant 1 : i32
        %add3A_209 = vector.broadcast %add3A_208 : i32 to vector<16xi32>
        %add3A_210 = arith.addi %convert_element_type3A_190, %add3A_209 : vector<16xi32>
        %min3A_211 = arith.constant 127 : i32
        %min3A_212 = vector.broadcast %min3A_211 : i32 to vector<16xi32>
        %min3A_213 = arith.minsi %add3A_210, %min3A_212 : vector<16xi32>
        %sub3A_214 = arith.subi %min3A_213, %convert_element_type3A_190 : vector<16xi32>
        %mul3A_215 = arith.constant 128 : i32
        %mul3A_216 = vector.broadcast %mul3A_215 : i32 to vector<16xi32>
        %mul3A_217 = arith.muli %sub3A_214, %mul3A_216 : vector<16xi32>
        %add3A_218 = arith.constant 1 : i32
        %add3A_219 = vector.broadcast %add3A_218 : i32 to vector<16xi32>
        %add3A_220 = arith.addi %convert_element_type3A_191, %add3A_219 : vector<16xi32>
        %min3A_221 = arith.constant 127 : i32
        %min3A_222 = vector.broadcast %min3A_221 : i32 to vector<16xi32>
        %min3A_223 = arith.minsi %add3A_220, %min3A_222 : vector<16xi32>
        %sub3A_224 = arith.subi %min3A_223, %convert_element_type3A_191 : vector<16xi32>
        %mul3A_225 = arith.constant 16384 : i32
        %mul3A_226 = vector.broadcast %mul3A_225 : i32 to vector<16xi32>
        %mul3A_227 = arith.muli %sub3A_224, %mul3A_226 : vector<16xi32>
        %mul3A_228 = arith.constant 16384 : i32
        %mul3A_229 = vector.broadcast %mul3A_228 : i32 to vector<16xi32>
        %mul3A_230 = arith.muli %convert_element_type3A_191, %mul3A_229 : vector<16xi32>
        %mul3A_231 = arith.constant 128 : i32
        %mul3A_232 = vector.broadcast %mul3A_231 : i32 to vector<16xi32>
        %mul3A_233 = arith.muli %convert_element_type3A_190, %mul3A_232 : vector<16xi32>
        %add3A_234 = arith.addi %mul3A_230, %mul3A_233 : vector<16xi32>
        %add3A_235 = arith.addi %add3A_234, %convert_element_type3A_189 : vector<16xi32>
        %swap3A_236 = arith.index_cast %mul3A_147 : i32 to index
        %swap3A_237 = tpu.vector_load %arg14[%swap3A_236] {strides = array<i32>} : memref<2048xi32, #tpu.memory_space<vmem>>, vector<16xi32>,
        %swap3A_238 = vector.shape_cast %swap3A_237 : vector<16xi32> to vector<16xi32>
        %swap3A_239 = vector.shape_cast %add3A_235 : vector<16xi32> to vector<16xi32>
        tpu.vector_store %arg14[%swap3A_236], %swap3A_239 {strides = array<i32>} : memref<2048xi32, #tpu.memory_space<vmem>>, vector<16xi32>,
        %add3A_240 = arith.addi %add3A_235, %mul3A_217 : vector<16xi32>
        %swap3A_241 = arith.index_cast %mul3A_147 : i32 to index
        %swap3A_242 = tpu.vector_load %arg15[%swap3A_241] {strides = array<i32>} : memref<2048xi32, #tpu.memory_space<vmem>>, vector<16xi32>,
        %swap3A_243 = vector.shape_cast %swap3A_242 : vector<16xi32> to vector<16xi32>
        %swap3A_244 = vector.shape_cast %add3A_240 : vector<16xi32> to vector<16xi32>
        tpu.vector_store %arg15[%swap3A_241], %swap3A_244 {strides = array<i32>} : memref<2048xi32, #tpu.memory_space<vmem>>, vector<16xi32>,
        %add3A_245 = arith.addi %add3A_235, %mul3A_227 : vector<16xi32>
        %swap3A_246 = arith.index_cast %mul3A_147 : i32 to index
        %swap3A_247 = tpu.vector_load %arg16[%swap3A_246] {strides = array<i32>} : memref<2048xi32, #tpu.memory_space<vmem>>, vector<16xi32>,
        %swap3A_248 = vector.shape_cast %swap3A_247 : vector<16xi32> to vector<16xi32>
        %swap3A_249 = vector.shape_cast %add3A_245 : vector<16xi32> to vector<16xi32>
        tpu.vector_store %arg16[%swap3A_246], %swap3A_249 {strides = array<i32>} : memref<2048xi32, #tpu.memory_space<vmem>>, vector<16xi32>,
        %add3A_250 = arith.addi %add3A_235, %mul3A_227 : vector<16xi32>
        %add3A_251 = arith.addi %add3A_250, %mul3A_217 : vector<16xi32>
        %swap3A_252 = arith.index_cast %mul3A_147 : i32 to index
        %swap3A_253 = tpu.vector_load %arg17[%swap3A_252] {strides = array<i32>} : memref<2048xi32, #tpu.memory_space<vmem>>, vector<16xi32>,
        %swap3A_254 = vector.shape_cast %swap3A_253 : vector<16xi32> to vector<16xi32>
        %swap3A_255 = vector.shape_cast %add3A_251 : vector<16xi32> to vector<16xi32>
        tpu.vector_store %arg17[%swap3A_252], %swap3A_255 {strides = array<i32>} : memref<2048xi32, #tpu.memory_space<vmem>>, vector<16xi32>,
      }
      %scan3A_75 = arith.constant 128 : i32
      %dma_start3A_76 = arith.constant 0 : i32
      %dma_start3A_77 = tpu.memref_slice %arg5[%dma_start3A_76] : memref<2097152xi32, #tpu.memory_space<hbm>> -> memref<2097152xi32, #tpu.memory_space<hbm>>
      tpu.enqueue_indirect_dma source(%dma_start3A_77 : memref<2097152xi32, #tpu.memory_space<hbm>>) target(%arg18 : memref<2048xi32, #tpu.memory_space<vmem>>) offsets(%arg14 : memref<2048xi32, #tpu.memory_space<vmem>>) semaphore(%arg39 : memref<!tpu.dma_semaphore, #tpu.memory_space<semaphore_mem>>)
      %dma_start3A_78 = arith.constant 0 : i32
      %dma_start3A_79 = tpu.memref_slice %arg5[%dma_start3A_78] : memref<2097152xi32, #tpu.memory_space<hbm>> -> memref<2097152xi32, #tpu.memory_space<hbm>>
      tpu.enqueue_indirect_dma source(%dma_start3A_79 : memref<2097152xi32, #tpu.memory_space<hbm>>) target(%arg19 : memref<2048xi32, #tpu.memory_space<vmem>>) offsets(%arg15 : memref<2048xi32, #tpu.memory_space<vmem>>) semaphore(%arg39 : memref<!tpu.dma_semaphore, #tpu.memory_space<semaphore_mem>>)
      %dma_start3A_80 = arith.constant 0 : i32
      %dma_start3A_81 = tpu.memref_slice %arg5[%dma_start3A_80] : memref<2097152xi32, #tpu.memory_space<hbm>> -> memref<2097152xi32, #tpu.memory_space<hbm>>
      tpu.enqueue_indirect_dma source(%dma_start3A_81 : memref<2097152xi32, #tpu.memory_space<hbm>>) target(%arg20 : memref<2048xi32, #tpu.memory_space<vmem>>) offsets(%arg16 : memref<2048xi32, #tpu.memory_space<vmem>>) semaphore(%arg39 : memref<!tpu.dma_semaphore, #tpu.memory_space<semaphore_mem>>)
      %dma_start3A_82 = arith.constant 0 : i32
      %dma_start3A_83 = tpu.memref_slice %arg5[%dma_start3A_82] : memref<2097152xi32, #tpu.memory_space<hbm>> -> memref<2097152xi32, #tpu.memory_space<hbm>>
      tpu.enqueue_indirect_dma source(%dma_start3A_83 : memref<2097152xi32, #tpu.memory_space<hbm>>) target(%arg21 : memref<2048xi32, #tpu.memory_space<vmem>>) offsets(%arg17 : memref<2048xi32, #tpu.memory_space<vmem>>) semaphore(%arg39 : memref<!tpu.dma_semaphore, #tpu.memory_space<semaphore_mem>>)
      %gt3A = arith.constant 1 : i32
      %gt3A_84 = arith.cmpi sgt, %scan3A_44, %gt3A : i32
      %convert_element_type3A = arith.extui %gt3A_84 : i1 to i32
      %cond3A = arith.constant 0 : i32
      %cond3A_85 = arith.cmpi ne, %convert_element_type3A, %cond3A : i32
      scf.if %cond3A_85 {
        %dma_wait3A_145 = arith.constant 0 : i32
        %dma_wait3A_146 = tpu.memref_slice %arg6[%dma_wait3A_145] : memref<2097152xf32, #tpu.memory_space<hbm>> -> memref<2048xf32, #tpu.memory_space<hbm>>
        %dma_wait3A_147 = arith.constant 0 : i32
        %dma_wait3A_148 = tpu.memref_slice %arg6[%dma_wait3A_147] : memref<2097152xf32, #tpu.memory_space<hbm>> -> memref<2048xf32, #tpu.memory_space<hbm>>
        tpu.wait_dma2 semaphore(%arg42 : memref<!tpu.dma_semaphore, #tpu.memory_space<semaphore_mem>>) src(%arg28 : memref<2048xf32, #tpu.memory_space<vmem>>) dst(%dma_wait3A_148 : memref<2048xf32, #tpu.memory_space<hbm>>)
      } else {
      }
      %gt3A_86 = arith.constant 0 : i32
      %gt3A_87 = arith.cmpi sgt, %scan3A_44, %gt3A_86 : i32
      %convert_element_type3A_88 = arith.extui %gt3A_87 : i1 to i32
      %cond3A_89 = arith.constant 0 : i32
      %cond3A_90 = arith.cmpi ne, %convert_element_type3A_88, %cond3A_89 : i32
      scf.if %cond3A_90 {
        %dma_wait3A_145 = arith.constant 0 : i32
        %dma_wait3A_146 = tpu.memref_slice %arg5[%dma_wait3A_145] : memref<2097152xi32, #tpu.memory_space<hbm>> -> memref<2097152xi32, #tpu.memory_space<hbm>>
        tpu.wait_indirect_dma semaphore(%arg40 : memref<!tpu.dma_semaphore, #tpu.memory_space<semaphore_mem>>) src(%dma_wait3A_146 : memref<2097152xi32, #tpu.memory_space<hbm>>) dst(%arg33 : memref<2048xi32, #tpu.memory_space<vmem>>)
        %dma_wait3A_147 = arith.constant 0 : i32
        %dma_wait3A_148 = tpu.memref_slice %arg5[%dma_wait3A_147] : memref<2097152xi32, #tpu.memory_space<hbm>> -> memref<2097152xi32, #tpu.memory_space<hbm>>
        tpu.wait_indirect_dma semaphore(%arg40 : memref<!tpu.dma_semaphore, #tpu.memory_space<semaphore_mem>>) src(%dma_wait3A_148 : memref<2097152xi32, #tpu.memory_space<hbm>>) dst(%arg34 : memref<2048xi32, #tpu.memory_space<vmem>>)
        %dma_wait3A_149 = arith.constant 0 : i32
        %dma_wait3A_150 = tpu.memref_slice %arg5[%dma_wait3A_149] : memref<2097152xi32, #tpu.memory_space<hbm>> -> memref<2097152xi32, #tpu.memory_space<hbm>>
        tpu.wait_indirect_dma semaphore(%arg40 : memref<!tpu.dma_semaphore, #tpu.memory_space<semaphore_mem>>) src(%dma_wait3A_150 : memref<2097152xi32, #tpu.memory_space<hbm>>) dst(%arg35 : memref<2048xi32, #tpu.memory_space<vmem>>)
        %dma_wait3A_151 = arith.constant 0 : i32
        %dma_wait3A_152 = tpu.memref_slice %arg5[%dma_wait3A_151] : memref<2097152xi32, #tpu.memory_space<hbm>> -> memref<2097152xi32, #tpu.memory_space<hbm>>
        tpu.wait_indirect_dma semaphore(%arg40 : memref<!tpu.dma_semaphore, #tpu.memory_space<semaphore_mem>>) src(%dma_wait3A_152 : memref<2097152xi32, #tpu.memory_space<hbm>>) dst(%arg36 : memref<2048xi32, #tpu.memory_space<vmem>>)
        %scan3A_153 = arith.constant 0 : i32
        %scan3A_154 = arith.constant 0 : i32
        %scan3A_155 = arith.constant 128 : i32
        %scan3A_156 = arith.addi %scan3A_154, %scan3A_155 : i32
        %scan3A_157 = arith.constant 1 : i32
        scf.for %scan3A_165 = %scan3A_154 to %scan3A_156 step %scan3A_157  : i32 {
          %mul3A_166 = arith.constant 16 : i32
          %mul3A_167 = arith.muli %scan3A_165, %mul3A_166 : i32
          %get3A = arith.index_cast %mul3A_167 : i32 to index
          %get3A_168 = tpu.vector_load %arg25[%get3A] {strides = array<i32>} : memref<2048xf32, #tpu.memory_space<vmem>>, vector<16xf32>,
          %get3A_169 = vector.shape_cast %get3A_168 : vector<16xf32> to vector<16xf32>
          %get3A_170 = arith.index_cast %mul3A_167 : i32 to index
          %get3A_171 = tpu.vector_load %arg26[%get3A_170] {strides = array<i32>} : memref<2048xf32, #tpu.memory_space<vmem>>, vector<16xf32>,
          %get3A_172 = vector.shape_cast %get3A_171 : vector<16xf32> to vector<16xf32>
          %get3A_173 = arith.index_cast %mul3A_167 : i32 to index
          %get3A_174 = tpu.vector_load %arg27[%get3A_173] {strides = array<i32>} : memref<2048xf32, #tpu.memory_space<vmem>>, vector<16xf32>,
          %get3A_175 = vector.shape_cast %get3A_174 : vector<16xf32> to vector<16xf32>
          %get3A_176 = arith.index_cast %mul3A_167 : i32 to index
          %get3A_177 = tpu.vector_load %arg33[%get3A_176] {strides = array<i32>} : memref<2048xi32, #tpu.memory_space<vmem>>, vector<16xi32>,
          %get3A_178 = vector.shape_cast %get3A_177 : vector<16xi32> to vector<16xi32>
          %and3A = arith.constant -65536 : i32
          %and3A_179 = vector.broadcast %and3A : i32 to vector<16xi32>
          %and3A_180 = arith.andi %get3A_178, %and3A_179 : vector<16xi32>
          %bitcast_convert_type3A = tpu.bitcast %and3A_180 : vector<16xi32> -> vector<16xf32>
          %shift_left3A = arith.constant 16 : i32
          %shift_left3A_181 = vector.broadcast %shift_left3A : i32 to vector<16xi32>
          %shift_left3A_182 = arith.shli %get3A_178, %shift_left3A_181 : vector<16xi32>
          %bitcast_convert_type3A_183 = tpu.bitcast %shift_left3A_182 : vector<16xi32> -> vector<16xf32>
          %sub3A_184 = arith.subf %bitcast_convert_type3A_183, %bitcast_convert_type3A : vector<16xf32>
          %mul3A_185 = arith.mulf %get3A_169, %sub3A_184 : vector<16xf32>
          %add3A_186 = arith.addf %bitcast_convert_type3A, %mul3A_185 : vector<16xf32>
          %get3A_187 = arith.index_cast %mul3A_167 : i32 to index
          %get3A_188 = tpu.vector_load %arg34[%get3A_187] {strides = array<i32>} : memref<2048xi32, #tpu.memory_space<vmem>>, vector<16xi32>,
          %get3A_189 = vector.shape_cast %get3A_188 : vector<16xi32> to vector<16xi32>
          %and3A_190 = arith.constant -65536 : i32
          %and3A_191 = vector.broadcast %and3A_190 : i32 to vector<16xi32>
          %and3A_192 = arith.andi %get3A_189, %and3A_191 : vector<16xi32>
          %bitcast_convert_type3A_193 = tpu.bitcast %and3A_192 : vector<16xi32> -> vector<16xf32>
          %shift_left3A_194 = arith.constant 16 : i32
          %shift_left3A_195 = vector.broadcast %shift_left3A_194 : i32 to vector<16xi32>
          %shift_left3A_196 = arith.shli %get3A_189, %shift_left3A_195 : vector<16xi32>
          %bitcast_convert_type3A_197 = tpu.bitcast %shift_left3A_196 : vector<16xi32> -> vector<16xf32>
          %sub3A_198 = arith.subf %bitcast_convert_type3A_197, %bitcast_convert_type3A_193 : vector<16xf32>
          %mul3A_199 = arith.mulf %get3A_169, %sub3A_198 : vector<16xf32>
          %add3A_200 = arith.addf %bitcast_convert_type3A_193, %mul3A_199 : vector<16xf32>
          %get3A_201 = arith.index_cast %mul3A_167 : i32 to index
          %get3A_202 = tpu.vector_load %arg35[%get3A_201] {strides = array<i32>} : memref<2048xi32, #tpu.memory_space<vmem>>, vector<16xi32>,
          %get3A_203 = vector.shape_cast %get3A_202 : vector<16xi32> to vector<16xi32>
          %and3A_204 = arith.constant -65536 : i32
          %and3A_205 = vector.broadcast %and3A_204 : i32 to vector<16xi32>
          %and3A_206 = arith.andi %get3A_203, %and3A_205 : vector<16xi32>
          %bitcast_convert_type3A_207 = tpu.bitcast %and3A_206 : vector<16xi32> -> vector<16xf32>
          %shift_left3A_208 = arith.constant 16 : i32
          %shift_left3A_209 = vector.broadcast %shift_left3A_208 : i32 to vector<16xi32>
          %shift_left3A_210 = arith.shli %get3A_203, %shift_left3A_209 : vector<16xi32>
          %bitcast_convert_type3A_211 = tpu.bitcast %shift_left3A_210 : vector<16xi32> -> vector<16xf32>
          %sub3A_212 = arith.subf %bitcast_convert_type3A_211, %bitcast_convert_type3A_207 : vector<16xf32>
          %mul3A_213 = arith.mulf %get3A_169, %sub3A_212 : vector<16xf32>
          %add3A_214 = arith.addf %bitcast_convert_type3A_207, %mul3A_213 : vector<16xf32>
          %get3A_215 = arith.index_cast %mul3A_167 : i32 to index
          %get3A_216 = tpu.vector_load %arg36[%get3A_215] {strides = array<i32>} : memref<2048xi32, #tpu.memory_space<vmem>>, vector<16xi32>,
          %get3A_217 = vector.shape_cast %get3A_216 : vector<16xi32> to vector<16xi32>
          %and3A_218 = arith.constant -65536 : i32
          %and3A_219 = vector.broadcast %and3A_218 : i32 to vector<16xi32>
          %and3A_220 = arith.andi %get3A_217, %and3A_219 : vector<16xi32>
          %bitcast_convert_type3A_221 = tpu.bitcast %and3A_220 : vector<16xi32> -> vector<16xf32>
          %shift_left3A_222 = arith.constant 16 : i32
          %shift_left3A_223 = vector.broadcast %shift_left3A_222 : i32 to vector<16xi32>
          %shift_left3A_224 = arith.shli %get3A_217, %shift_left3A_223 : vector<16xi32>
          %bitcast_convert_type3A_225 = tpu.bitcast %shift_left3A_224 : vector<16xi32> -> vector<16xf32>
          %sub3A_226 = arith.subf %bitcast_convert_type3A_225, %bitcast_convert_type3A_221 : vector<16xf32>
          %mul3A_227 = arith.mulf %get3A_169, %sub3A_226 : vector<16xf32>
          %add3A_228 = arith.addf %bitcast_convert_type3A_221, %mul3A_227 : vector<16xf32>
          %sub3A_229 = arith.subf %add3A_200, %add3A_186 : vector<16xf32>
          %mul3A_230 = arith.mulf %get3A_172, %sub3A_229 : vector<16xf32>
          %add3A_231 = arith.addf %add3A_186, %mul3A_230 : vector<16xf32>
          %sub3A_232 = arith.subf %add3A_228, %add3A_214 : vector<16xf32>
          %mul3A_233 = arith.mulf %get3A_172, %sub3A_232 : vector<16xf32>
          %add3A_234 = arith.addf %add3A_214, %mul3A_233 : vector<16xf32>
          %sub3A_235 = arith.subf %add3A_234, %add3A_231 : vector<16xf32>
          %mul3A_236 = arith.mulf %get3A_175, %sub3A_235 : vector<16xf32>
          %add3A_237 = arith.addf %add3A_231, %mul3A_236 : vector<16xf32>
          %swap3A = arith.index_cast %mul3A_167 : i32 to index
          %swap3A_238 = tpu.vector_load %arg28[%swap3A] {strides = array<i32>} : memref<2048xf32, #tpu.memory_space<vmem>>, vector<16xf32>,
          %swap3A_239 = vector.shape_cast %swap3A_238 : vector<16xf32> to vector<16xf32>
          %swap3A_240 = vector.shape_cast %add3A_237 : vector<16xf32> to vector<16xf32>
          tpu.vector_store %arg28[%swap3A], %swap3A_240 {strides = array<i32>} : memref<2048xf32, #tpu.memory_space<vmem>>, vector<16xf32>,
        }
        %scan3A_158 = arith.constant 128 : i32
        %sub3A = arith.constant 1 : i32
        %sub3A_159 = arith.subi %mul3A_46, %sub3A : i32
        %mul3A_160 = arith.constant 2048 : i32
        %mul3A_161 = arith.muli %sub3A_159, %mul3A_160 : i32
        %add3A_162 = arith.addi %mul3A_2, %mul3A_161 : i32
        %dma_start3A_163 = tpu.memref_slice %arg6[%add3A_162] : memref<2097152xf32, #tpu.memory_space<hbm>> -> memref<2048xf32, #tpu.memory_space<hbm>>
        %dma_start3A_164 = tpu.memref_slice %arg6[%add3A_162] : memref<2097152xf32, #tpu.memory_space<hbm>> -> memref<2048xf32, #tpu.memory_space<hbm>>
        tpu.enqueue_dma source(%arg28 : memref<2048xf32, #tpu.memory_space<vmem>>) target(%dma_start3A_164 : memref<2048xf32, #tpu.memory_space<hbm>>) target_semaphore(%arg42 : memref<!tpu.dma_semaphore, #tpu.memory_space<semaphore_mem>>)
      } else {
      }
      %lt3A = arith.constant 15 : i32
      %lt3A_91 = arith.cmpi slt, %scan3A_44, %lt3A : i32
      %convert_element_type3A_92 = arith.extui %lt3A_91 : i1 to i32
      %cond3A_93 = arith.constant 0 : i32
      %cond3A_94 = arith.cmpi ne, %convert_element_type3A_92, %cond3A_93 : i32
      scf.if %cond3A_94 {
        %add3A_145 = arith.constant 2 : i32
        %add3A_146 = arith.addi %mul3A_46, %add3A_145 : i32
        %mul3A_147 = arith.constant 2048 : i32
        %mul3A_148 = arith.muli %add3A_146, %mul3A_147 : i32
        %add3A_149 = arith.addi %mul3A_2, %mul3A_148 : i32
        %dma_start3A_150 = tpu.memref_slice %arg2[%add3A_149] : memref<2097152xf32, #tpu.memory_space<hbm>> -> memref<2048xf32, #tpu.memory_space<hbm>>
        %dma_start3A_151 = tpu.memref_slice %arg2[%add3A_149] : memref<2097152xf32, #tpu.memory_space<hbm>> -> memref<2048xf32, #tpu.memory_space<hbm>>
        tpu.enqueue_dma source(%dma_start3A_151 : memref<2048xf32, #tpu.memory_space<hbm>>) target(%arg7 : memref<2048xf32, #tpu.memory_space<vmem>>) target_semaphore(%arg37 : memref<!tpu.dma_semaphore, #tpu.memory_space<semaphore_mem>>)
        %dma_start3A_152 = tpu.memref_slice %arg3[%add3A_149] : memref<2097152xf32, #tpu.memory_space<hbm>> -> memref<2048xf32, #tpu.memory_space<hbm>>
        %dma_start3A_153 = tpu.memref_slice %arg3[%add3A_149] : memref<2097152xf32, #tpu.memory_space<hbm>> -> memref<2048xf32, #tpu.memory_space<hbm>>
        tpu.enqueue_dma source(%dma_start3A_153 : memref<2048xf32, #tpu.memory_space<hbm>>) target(%arg8 : memref<2048xf32, #tpu.memory_space<vmem>>) target_semaphore(%arg37 : memref<!tpu.dma_semaphore, #tpu.memory_space<semaphore_mem>>)
        %dma_start3A_154 = tpu.memref_slice %arg4[%add3A_149] : memref<2097152xf32, #tpu.memory_space<hbm>> -> memref<2048xf32, #tpu.memory_space<hbm>>
        %dma_start3A_155 = tpu.memref_slice %arg4[%add3A_149] : memref<2097152xf32, #tpu.memory_space<hbm>> -> memref<2048xf32, #tpu.memory_space<hbm>>
        tpu.enqueue_dma source(%dma_start3A_155 : memref<2048xf32, #tpu.memory_space<hbm>>) target(%arg9 : memref<2048xf32, #tpu.memory_space<vmem>>) target_semaphore(%arg37 : memref<!tpu.dma_semaphore, #tpu.memory_space<semaphore_mem>>)
      } else {
      }
      %dma_wait3A_95 = arith.constant 0 : i32
      %dma_wait3A_96 = tpu.memref_slice %arg2[%dma_wait3A_95] : memref<2097152xf32, #tpu.memory_space<hbm>> -> memref<2048xf32, #tpu.memory_space<hbm>>
      %dma_wait3A_97 = arith.constant 0 : i32
      %dma_wait3A_98 = tpu.memref_slice %arg2[%dma_wait3A_97] : memref<2097152xf32, #tpu.memory_space<hbm>> -> memref<2048xf32, #tpu.memory_space<hbm>>
      tpu.wait_dma2 semaphore(%arg38 : memref<!tpu.dma_semaphore, #tpu.memory_space<semaphore_mem>>) src(%dma_wait3A_98 : memref<2048xf32, #tpu.memory_space<hbm>>) dst(%arg22 : memref<2048xf32, #tpu.memory_space<vmem>>)
      %dma_wait3A_99 = arith.constant 0 : i32
      %dma_wait3A_100 = tpu.memref_slice %arg3[%dma_wait3A_99] : memref<2097152xf32, #tpu.memory_space<hbm>> -> memref<2048xf32, #tpu.memory_space<hbm>>
      %dma_wait3A_101 = arith.constant 0 : i32
      %dma_wait3A_102 = tpu.memref_slice %arg3[%dma_wait3A_101] : memref<2097152xf32, #tpu.memory_space<hbm>> -> memref<2048xf32, #tpu.memory_space<hbm>>
      tpu.wait_dma2 semaphore(%arg38 : memref<!tpu.dma_semaphore, #tpu.memory_space<semaphore_mem>>) src(%dma_wait3A_102 : memref<2048xf32, #tpu.memory_space<hbm>>) dst(%arg23 : memref<2048xf32, #tpu.memory_space<vmem>>)
      %dma_wait3A_103 = arith.constant 0 : i32
      %dma_wait3A_104 = tpu.memref_slice %arg4[%dma_wait3A_103] : memref<2097152xf32, #tpu.memory_space<hbm>> -> memref<2048xf32, #tpu.memory_space<hbm>>
      %dma_wait3A_105 = arith.constant 0 : i32
      %dma_wait3A_106 = tpu.memref_slice %arg4[%dma_wait3A_105] : memref<2097152xf32, #tpu.memory_space<hbm>> -> memref<2048xf32, #tpu.memory_space<hbm>>
      tpu.wait_dma2 semaphore(%arg38 : memref<!tpu.dma_semaphore, #tpu.memory_space<semaphore_mem>>) src(%dma_wait3A_106 : memref<2048xf32, #tpu.memory_space<hbm>>) dst(%arg24 : memref<2048xf32, #tpu.memory_space<vmem>>)
      %scan3A_107 = arith.constant 0 : i32
      %scan3A_108 = arith.constant 0 : i32
      %scan3A_109 = arith.constant 128 : i32
      %scan3A_110 = arith.addi %scan3A_108, %scan3A_109 : i32
      %scan3A_111 = arith.constant 1 : i32
      scf.for %scan3A_145 = %scan3A_108 to %scan3A_110 step %scan3A_111  : i32 {
        %mul3A_146 = arith.constant 16 : i32
        %mul3A_147 = arith.muli %scan3A_145, %mul3A_146 : i32
        %get3A = arith.index_cast %mul3A_147 : i32 to index
        %get3A_148 = tpu.vector_load %arg22[%get3A] {strides = array<i32>} : memref<2048xf32, #tpu.memory_space<vmem>>, vector<16xf32>,
        %get3A_149 = vector.shape_cast %get3A_148 : vector<16xf32> to vector<16xf32>
        %mul3A_150 = arith.constant 6.400000e+01 : f32
        %mul3A_151 = vector.broadcast %mul3A_150 : f32 to vector<16xf32>
        %mul3A_152 = arith.mulf %get3A_149, %mul3A_151 : vector<16xf32>
        %add3A_153 = arith.constant 6.350000e+01 : f32
        %add3A_154 = vector.broadcast %add3A_153 : f32 to vector<16xf32>
        %add3A_155 = arith.addf %mul3A_152, %add3A_154 : vector<16xf32>
        %jit3A = arith.constant 0.000000e+00 : f32
        %jit3A_156 = arith.constant 1.270000e+02 : f32
        %max3A = vector.broadcast %jit3A : f32 to vector<16xf32>
        %max3A_157 = arith.maximumf %max3A, %add3A_155 : vector<16xf32>
        %min3A = vector.broadcast %jit3A_156 : f32 to vector<16xf32>
        %min3A_158 = arith.minimumf %min3A, %max3A_157 : vector<16xf32>
        %get3A_159 = arith.index_cast %mul3A_147 : i32 to index
        %get3A_160 = tpu.vector_load %arg23[%get3A_159] {strides = array<i32>} : memref<2048xf32, #tpu.memory_space<vmem>>, vector<16xf32>,
        %get3A_161 = vector.shape_cast %get3A_160 : vector<16xf32> to vector<16xf32>
        %mul3A_162 = arith.constant 6.400000e+01 : f32
        %mul3A_163 = vector.broadcast %mul3A_162 : f32 to vector<16xf32>
        %mul3A_164 = arith.mulf %get3A_161, %mul3A_163 : vector<16xf32>
        %add3A_165 = arith.constant 6.350000e+01 : f32
        %add3A_166 = vector.broadcast %add3A_165 : f32 to vector<16xf32>
        %add3A_167 = arith.addf %mul3A_164, %add3A_166 : vector<16xf32>
        %jit3A_168 = arith.constant 0.000000e+00 : f32
        %jit3A_169 = arith.constant 1.270000e+02 : f32
        %max3A_170 = vector.broadcast %jit3A_168 : f32 to vector<16xf32>
        %max3A_171 = arith.maximumf %max3A_170, %add3A_167 : vector<16xf32>
        %min3A_172 = vector.broadcast %jit3A_169 : f32 to vector<16xf32>
        %min3A_173 = arith.minimumf %min3A_172, %max3A_171 : vector<16xf32>
        %get3A_174 = arith.index_cast %mul3A_147 : i32 to index
        %get3A_175 = tpu.vector_load %arg24[%get3A_174] {strides = array<i32>} : memref<2048xf32, #tpu.memory_space<vmem>>, vector<16xf32>,
        %get3A_176 = vector.shape_cast %get3A_175 : vector<16xf32> to vector<16xf32>
        %mul3A_177 = arith.constant 6.400000e+01 : f32
        %mul3A_178 = vector.broadcast %mul3A_177 : f32 to vector<16xf32>
        %mul3A_179 = arith.mulf %get3A_176, %mul3A_178 : vector<16xf32>
        %add3A_180 = arith.constant 6.350000e+01 : f32
        %add3A_181 = vector.broadcast %add3A_180 : f32 to vector<16xf32>
        %add3A_182 = arith.addf %mul3A_179, %add3A_181 : vector<16xf32>
        %jit3A_183 = arith.constant 0.000000e+00 : f32
        %jit3A_184 = arith.constant 1.270000e+02 : f32
        %max3A_185 = vector.broadcast %jit3A_183 : f32 to vector<16xf32>
        %max3A_186 = arith.maximumf %max3A_185, %add3A_182 : vector<16xf32>
        %min3A_187 = vector.broadcast %jit3A_184 : f32 to vector<16xf32>
        %min3A_188 = arith.minimumf %min3A_187, %max3A_186 : vector<16xf32>
        %convert_element_type3A_189 = arith.fptosi %min3A_158 : vector<16xf32> to vector<16xi32>
        %convert_element_type3A_190 = arith.fptosi %min3A_173 : vector<16xf32> to vector<16xi32>
        %convert_element_type3A_191 = arith.fptosi %min3A_188 : vector<16xf32> to vector<16xi32>
        %convert_element_type3A_192 = arith.sitofp %convert_element_type3A_189 : vector<16xi32> to vector<16xf32>
        %sub3A = arith.subf %min3A_158, %convert_element_type3A_192 : vector<16xf32>
        %swap3A = arith.index_cast %mul3A_147 : i32 to index
        %swap3A_193 = tpu.vector_load %arg25[%swap3A] {strides = array<i32>} : memref<2048xf32, #tpu.memory_space<vmem>>, vector<16xf32>,
        %swap3A_194 = vector.shape_cast %swap3A_193 : vector<16xf32> to vector<16xf32>
        %swap3A_195 = vector.shape_cast %sub3A : vector<16xf32> to vector<16xf32>
        tpu.vector_store %arg25[%swap3A], %swap3A_195 {strides = array<i32>} : memref<2048xf32, #tpu.memory_space<vmem>>, vector<16xf32>,
        %convert_element_type3A_196 = arith.sitofp %convert_element_type3A_190 : vector<16xi32> to vector<16xf32>
        %sub3A_197 = arith.subf %min3A_173, %convert_element_type3A_196 : vector<16xf32>
        %swap3A_198 = arith.index_cast %mul3A_147 : i32 to index
        %swap3A_199 = tpu.vector_load %arg26[%swap3A_198] {strides = array<i32>} : memref<2048xf32, #tpu.memory_space<vmem>>, vector<16xf32>,
        %swap3A_200 = vector.shape_cast %swap3A_199 : vector<16xf32> to vector<16xf32>
        %swap3A_201 = vector.shape_cast %sub3A_197 : vector<16xf32> to vector<16xf32>
        tpu.vector_store %arg26[%swap3A_198], %swap3A_201 {strides = array<i32>} : memref<2048xf32, #tpu.memory_space<vmem>>, vector<16xf32>,
        %convert_element_type3A_202 = arith.sitofp %convert_element_type3A_191 : vector<16xi32> to vector<16xf32>
        %sub3A_203 = arith.subf %min3A_188, %convert_element_type3A_202 : vector<16xf32>
        %swap3A_204 = arith.index_cast %mul3A_147 : i32 to index
        %swap3A_205 = tpu.vector_load %arg27[%swap3A_204] {strides = array<i32>} : memref<2048xf32, #tpu.memory_space<vmem>>, vector<16xf32>,
        %swap3A_206 = vector.shape_cast %swap3A_205 : vector<16xf32> to vector<16xf32>
        %swap3A_207 = vector.shape_cast %sub3A_203 : vector<16xf32> to vector<16xf32>
        tpu.vector_store %arg27[%swap3A_204], %swap3A_207 {strides = array<i32>} : memref<2048xf32, #tpu.memory_space<vmem>>, vector<16xf32>,
        %add3A_208 = arith.constant 1 : i32
        %add3A_209 = vector.broadcast %add3A_208 : i32 to vector<16xi32>
        %add3A_210 = arith.addi %convert_element_type3A_190, %add3A_209 : vector<16xi32>
        %min3A_211 = arith.constant 127 : i32
        %min3A_212 = vector.broadcast %min3A_211 : i32 to vector<16xi32>
        %min3A_213 = arith.minsi %add3A_210, %min3A_212 : vector<16xi32>
        %sub3A_214 = arith.subi %min3A_213, %convert_element_type3A_190 : vector<16xi32>
        %mul3A_215 = arith.constant 128 : i32
        %mul3A_216 = vector.broadcast %mul3A_215 : i32 to vector<16xi32>
        %mul3A_217 = arith.muli %sub3A_214, %mul3A_216 : vector<16xi32>
        %add3A_218 = arith.constant 1 : i32
        %add3A_219 = vector.broadcast %add3A_218 : i32 to vector<16xi32>
        %add3A_220 = arith.addi %convert_element_type3A_191, %add3A_219 : vector<16xi32>
        %min3A_221 = arith.constant 127 : i32
        %min3A_222 = vector.broadcast %min3A_221 : i32 to vector<16xi32>
        %min3A_223 = arith.minsi %add3A_220, %min3A_222 : vector<16xi32>
        %sub3A_224 = arith.subi %min3A_223, %convert_element_type3A_191 : vector<16xi32>
        %mul3A_225 = arith.constant 16384 : i32
        %mul3A_226 = vector.broadcast %mul3A_225 : i32 to vector<16xi32>
        %mul3A_227 = arith.muli %sub3A_224, %mul3A_226 : vector<16xi32>
        %mul3A_228 = arith.constant 16384 : i32
        %mul3A_229 = vector.broadcast %mul3A_228 : i32 to vector<16xi32>
        %mul3A_230 = arith.muli %convert_element_type3A_191, %mul3A_229 : vector<16xi32>
        %mul3A_231 = arith.constant 128 : i32
        %mul3A_232 = vector.broadcast %mul3A_231 : i32 to vector<16xi32>
        %mul3A_233 = arith.muli %convert_element_type3A_190, %mul3A_232 : vector<16xi32>
        %add3A_234 = arith.addi %mul3A_230, %mul3A_233 : vector<16xi32>
        %add3A_235 = arith.addi %add3A_234, %convert_element_type3A_189 : vector<16xi32>
        %swap3A_236 = arith.index_cast %mul3A_147 : i32 to index
        %swap3A_237 = tpu.vector_load %arg29[%swap3A_236] {strides = array<i32>} : memref<2048xi32, #tpu.memory_space<vmem>>, vector<16xi32>,
        %swap3A_238 = vector.shape_cast %swap3A_237 : vector<16xi32> to vector<16xi32>
        %swap3A_239 = vector.shape_cast %add3A_235 : vector<16xi32> to vector<16xi32>
        tpu.vector_store %arg29[%swap3A_236], %swap3A_239 {strides = array<i32>} : memref<2048xi32, #tpu.memory_space<vmem>>, vector<16xi32>,
        %add3A_240 = arith.addi %add3A_235, %mul3A_217 : vector<16xi32>
        %swap3A_241 = arith.index_cast %mul3A_147 : i32 to index
        %swap3A_242 = tpu.vector_load %arg30[%swap3A_241] {strides = array<i32>} : memref<2048xi32, #tpu.memory_space<vmem>>, vector<16xi32>,
        %swap3A_243 = vector.shape_cast %swap3A_242 : vector<16xi32> to vector<16xi32>
        %swap3A_244 = vector.shape_cast %add3A_240 : vector<16xi32> to vector<16xi32>
        tpu.vector_store %arg30[%swap3A_241], %swap3A_244 {strides = array<i32>} : memref<2048xi32, #tpu.memory_space<vmem>>, vector<16xi32>,
        %add3A_245 = arith.addi %add3A_235, %mul3A_227 : vector<16xi32>
        %swap3A_246 = arith.index_cast %mul3A_147 : i32 to index
        %swap3A_247 = tpu.vector_load %arg31[%swap3A_246] {strides = array<i32>} : memref<2048xi32, #tpu.memory_space<vmem>>, vector<16xi32>,
        %swap3A_248 = vector.shape_cast %swap3A_247 : vector<16xi32> to vector<16xi32>
        %swap3A_249 = vector.shape_cast %add3A_245 : vector<16xi32> to vector<16xi32>
        tpu.vector_store %arg31[%swap3A_246], %swap3A_249 {strides = array<i32>} : memref<2048xi32, #tpu.memory_space<vmem>>, vector<16xi32>,
        %add3A_250 = arith.addi %add3A_235, %mul3A_227 : vector<16xi32>
        %add3A_251 = arith.addi %add3A_250, %mul3A_217 : vector<16xi32>
        %swap3A_252 = arith.index_cast %mul3A_147 : i32 to index
        %swap3A_253 = tpu.vector_load %arg32[%swap3A_252] {strides = array<i32>} : memref<2048xi32, #tpu.memory_space<vmem>>, vector<16xi32>,
        %swap3A_254 = vector.shape_cast %swap3A_253 : vector<16xi32> to vector<16xi32>
        %swap3A_255 = vector.shape_cast %add3A_251 : vector<16xi32> to vector<16xi32>
        tpu.vector_store %arg32[%swap3A_252], %swap3A_255 {strides = array<i32>} : memref<2048xi32, #tpu.memory_space<vmem>>, vector<16xi32>,
      }
      %scan3A_112 = arith.constant 128 : i32
      %dma_start3A_113 = arith.constant 0 : i32
      %dma_start3A_114 = tpu.memref_slice %arg5[%dma_start3A_113] : memref<2097152xi32, #tpu.memory_space<hbm>> -> memref<2097152xi32, #tpu.memory_space<hbm>>
      tpu.enqueue_indirect_dma source(%dma_start3A_114 : memref<2097152xi32, #tpu.memory_space<hbm>>) target(%arg33 : memref<2048xi32, #tpu.memory_space<vmem>>) offsets(%arg29 : memref<2048xi32, #tpu.memory_space<vmem>>) semaphore(%arg40 : memref<!tpu.dma_semaphore, #tpu.memory_space<semaphore_mem>>)
      %dma_start3A_115 = arith.constant 0 : i32
      %dma_start3A_116 = tpu.memref_slice %arg5[%dma_start3A_115] : memref<2097152xi32, #tpu.memory_space<hbm>> -> memref<2097152xi32, #tpu.memory_space<hbm>>
      tpu.enqueue_indirect_dma source(%dma_start3A_116 : memref<2097152xi32, #tpu.memory_space<hbm>>) target(%arg34 : memref<2048xi32, #tpu.memory_space<vmem>>) offsets(%arg30 : memref<2048xi32, #tpu.memory_space<vmem>>) semaphore(%arg40 : memref<!tpu.dma_semaphore, #tpu.memory_space<semaphore_mem>>)
      %dma_start3A_117 = arith.constant 0 : i32
      %dma_start3A_118 = tpu.memref_slice %arg5[%dma_start3A_117] : memref<2097152xi32, #tpu.memory_space<hbm>> -> memref<2097152xi32, #tpu.memory_space<hbm>>
      tpu.enqueue_indirect_dma source(%dma_start3A_118 : memref<2097152xi32, #tpu.memory_space<hbm>>) target(%arg35 : memref<2048xi32, #tpu.memory_space<vmem>>) offsets(%arg31 : memref<2048xi32, #tpu.memory_space<vmem>>) semaphore(%arg40 : memref<!tpu.dma_semaphore, #tpu.memory_space<semaphore_mem>>)
      %dma_start3A_119 = arith.constant 0 : i32
      %dma_start3A_120 = tpu.memref_slice %arg5[%dma_start3A_119] : memref<2097152xi32, #tpu.memory_space<hbm>> -> memref<2097152xi32, #tpu.memory_space<hbm>>
      tpu.enqueue_indirect_dma source(%dma_start3A_120 : memref<2097152xi32, #tpu.memory_space<hbm>>) target(%arg36 : memref<2048xi32, #tpu.memory_space<vmem>>) offsets(%arg32 : memref<2048xi32, #tpu.memory_space<vmem>>) semaphore(%arg40 : memref<!tpu.dma_semaphore, #tpu.memory_space<semaphore_mem>>)
      %dma_wait3A_121 = arith.constant 0 : i32
      %dma_wait3A_122 = tpu.memref_slice %arg5[%dma_wait3A_121] : memref<2097152xi32, #tpu.memory_space<hbm>> -> memref<2097152xi32, #tpu.memory_space<hbm>>
      tpu.wait_indirect_dma semaphore(%arg39 : memref<!tpu.dma_semaphore, #tpu.memory_space<semaphore_mem>>) src(%dma_wait3A_122 : memref<2097152xi32, #tpu.memory_space<hbm>>) dst(%arg18 : memref<2048xi32, #tpu.memory_space<vmem>>)
      %dma_wait3A_123 = arith.constant 0 : i32
      %dma_wait3A_124 = tpu.memref_slice %arg5[%dma_wait3A_123] : memref<2097152xi32, #tpu.memory_space<hbm>> -> memref<2097152xi32, #tpu.memory_space<hbm>>
      tpu.wait_indirect_dma semaphore(%arg39 : memref<!tpu.dma_semaphore, #tpu.memory_space<semaphore_mem>>) src(%dma_wait3A_124 : memref<2097152xi32, #tpu.memory_space<hbm>>) dst(%arg19 : memref<2048xi32, #tpu.memory_space<vmem>>)
      %dma_wait3A_125 = arith.constant 0 : i32
      %dma_wait3A_126 = tpu.memref_slice %arg5[%dma_wait3A_125] : memref<2097152xi32, #tpu.memory_space<hbm>> -> memref<2097152xi32, #tpu.memory_space<hbm>>
      tpu.wait_indirect_dma semaphore(%arg39 : memref<!tpu.dma_semaphore, #tpu.memory_space<semaphore_mem>>) src(%dma_wait3A_126 : memref<2097152xi32, #tpu.memory_space<hbm>>) dst(%arg20 : memref<2048xi32, #tpu.memory_space<vmem>>)
      %dma_wait3A_127 = arith.constant 0 : i32
      %dma_wait3A_128 = tpu.memref_slice %arg5[%dma_wait3A_127] : memref<2097152xi32, #tpu.memory_space<hbm>> -> memref<2097152xi32, #tpu.memory_space<hbm>>
      tpu.wait_indirect_dma semaphore(%arg39 : memref<!tpu.dma_semaphore, #tpu.memory_space<semaphore_mem>>) src(%dma_wait3A_128 : memref<2097152xi32, #tpu.memory_space<hbm>>) dst(%arg21 : memref<2048xi32, #tpu.memory_space<vmem>>)
      %gt3A_129 = arith.constant 0 : i32
      %gt3A_130 = arith.cmpi sgt, %scan3A_44, %gt3A_129 : i32
      %convert_element_type3A_131 = arith.extui %gt3A_130 : i1 to i32
      %cond3A_132 = arith.constant 0 : i32
      %cond3A_133 = arith.cmpi ne, %convert_element_type3A_131, %cond3A_132 : i32
      scf.if %cond3A_133 {
        %dma_wait3A_145 = arith.constant 0 : i32
        %dma_wait3A_146 = tpu.memref_slice %arg6[%dma_wait3A_145] : memref<2097152xf32, #tpu.memory_space<hbm>> -> memref<2048xf32, #tpu.memory_space<hbm>>
        %dma_wait3A_147 = arith.constant 0 : i32
        %dma_wait3A_148 = tpu.memref_slice %arg6[%dma_wait3A_147] : memref<2097152xf32, #tpu.memory_space<hbm>> -> memref<2048xf32, #tpu.memory_space<hbm>>
        tpu.wait_dma2 semaphore(%arg41 : memref<!tpu.dma_semaphore, #tpu.memory_space<semaphore_mem>>) src(%arg13 : memref<2048xf32, #tpu.memory_space<vmem>>) dst(%dma_wait3A_148 : memref<2048xf32, #tpu.memory_space<hbm>>)
      } else {
      }
      %scan3A_134 = arith.constant 0 : i32
      %scan3A_135 = arith.constant 0 : i32
      %scan3A_136 = arith.constant 128 : i32
      %scan3A_137 = arith.addi %scan3A_135, %scan3A_136 : i32
      %scan3A_138 = arith.constant 1 : i32
      scf.for %scan3A_145 = %scan3A_135 to %scan3A_137 step %scan3A_138  : i32 {
        %mul3A_146 = arith.constant 16 : i32
        %mul3A_147 = arith.muli %scan3A_145, %mul3A_146 : i32
        %get3A = arith.index_cast %mul3A_147 : i32 to index
        %get3A_148 = tpu.vector_load %arg10[%get3A] {strides = array<i32>} : memref<2048xf32, #tpu.memory_space<vmem>>, vector<16xf32>,
        %get3A_149 = vector.shape_cast %get3A_148 : vector<16xf32> to vector<16xf32>
        %get3A_150 = arith.index_cast %mul3A_147 : i32 to index
        %get3A_151 = tpu.vector_load %arg11[%get3A_150] {strides = array<i32>} : memref<2048xf32, #tpu.memory_space<vmem>>, vector<16xf32>,
        %get3A_152 = vector.shape_cast %get3A_151 : vector<16xf32> to vector<16xf32>
        %get3A_153 = arith.index_cast %mul3A_147 : i32 to index
        %get3A_154 = tpu.vector_load %arg12[%get3A_153] {strides = array<i32>} : memref<2048xf32, #tpu.memory_space<vmem>>, vector<16xf32>,
        %get3A_155 = vector.shape_cast %get3A_154 : vector<16xf32> to vector<16xf32>
        %get3A_156 = arith.index_cast %mul3A_147 : i32 to index
        %get3A_157 = tpu.vector_load %arg18[%get3A_156] {strides = array<i32>} : memref<2048xi32, #tpu.memory_space<vmem>>, vector<16xi32>,
        %get3A_158 = vector.shape_cast %get3A_157 : vector<16xi32> to vector<16xi32>
        %and3A = arith.constant -65536 : i32
        %and3A_159 = vector.broadcast %and3A : i32 to vector<16xi32>
        %and3A_160 = arith.andi %get3A_158, %and3A_159 : vector<16xi32>
        %bitcast_convert_type3A = tpu.bitcast %and3A_160 : vector<16xi32> -> vector<16xf32>
        %shift_left3A = arith.constant 16 : i32
        %shift_left3A_161 = vector.broadcast %shift_left3A : i32 to vector<16xi32>
        %shift_left3A_162 = arith.shli %get3A_158, %shift_left3A_161 : vector<16xi32>
        %bitcast_convert_type3A_163 = tpu.bitcast %shift_left3A_162 : vector<16xi32> -> vector<16xf32>
        %sub3A = arith.subf %bitcast_convert_type3A_163, %bitcast_convert_type3A : vector<16xf32>
        %mul3A_164 = arith.mulf %get3A_149, %sub3A : vector<16xf32>
        %add3A_165 = arith.addf %bitcast_convert_type3A, %mul3A_164 : vector<16xf32>
        %get3A_166 = arith.index_cast %mul3A_147 : i32 to index
        %get3A_167 = tpu.vector_load %arg19[%get3A_166] {strides = array<i32>} : memref<2048xi32, #tpu.memory_space<vmem>>, vector<16xi32>,
        %get3A_168 = vector.shape_cast %get3A_167 : vector<16xi32> to vector<16xi32>
        %and3A_169 = arith.constant -65536 : i32
        %and3A_170 = vector.broadcast %and3A_169 : i32 to vector<16xi32>
        %and3A_171 = arith.andi %get3A_168, %and3A_170 : vector<16xi32>
        %bitcast_convert_type3A_172 = tpu.bitcast %and3A_171 : vector<16xi32> -> vector<16xf32>
        %shift_left3A_173 = arith.constant 16 : i32
        %shift_left3A_174 = vector.broadcast %shift_left3A_173 : i32 to vector<16xi32>
        %shift_left3A_175 = arith.shli %get3A_168, %shift_left3A_174 : vector<16xi32>
        %bitcast_convert_type3A_176 = tpu.bitcast %shift_left3A_175 : vector<16xi32> -> vector<16xf32>
        %sub3A_177 = arith.subf %bitcast_convert_type3A_176, %bitcast_convert_type3A_172 : vector<16xf32>
        %mul3A_178 = arith.mulf %get3A_149, %sub3A_177 : vector<16xf32>
        %add3A_179 = arith.addf %bitcast_convert_type3A_172, %mul3A_178 : vector<16xf32>
        %get3A_180 = arith.index_cast %mul3A_147 : i32 to index
        %get3A_181 = tpu.vector_load %arg20[%get3A_180] {strides = array<i32>} : memref<2048xi32, #tpu.memory_space<vmem>>, vector<16xi32>,
        %get3A_182 = vector.shape_cast %get3A_181 : vector<16xi32> to vector<16xi32>
        %and3A_183 = arith.constant -65536 : i32
        %and3A_184 = vector.broadcast %and3A_183 : i32 to vector<16xi32>
        %and3A_185 = arith.andi %get3A_182, %and3A_184 : vector<16xi32>
        %bitcast_convert_type3A_186 = tpu.bitcast %and3A_185 : vector<16xi32> -> vector<16xf32>
        %shift_left3A_187 = arith.constant 16 : i32
        %shift_left3A_188 = vector.broadcast %shift_left3A_187 : i32 to vector<16xi32>
        %shift_left3A_189 = arith.shli %get3A_182, %shift_left3A_188 : vector<16xi32>
        %bitcast_convert_type3A_190 = tpu.bitcast %shift_left3A_189 : vector<16xi32> -> vector<16xf32>
        %sub3A_191 = arith.subf %bitcast_convert_type3A_190, %bitcast_convert_type3A_186 : vector<16xf32>
        %mul3A_192 = arith.mulf %get3A_149, %sub3A_191 : vector<16xf32>
        %add3A_193 = arith.addf %bitcast_convert_type3A_186, %mul3A_192 : vector<16xf32>
        %get3A_194 = arith.index_cast %mul3A_147 : i32 to index
        %get3A_195 = tpu.vector_load %arg21[%get3A_194] {strides = array<i32>} : memref<2048xi32, #tpu.memory_space<vmem>>, vector<16xi32>,
        %get3A_196 = vector.shape_cast %get3A_195 : vector<16xi32> to vector<16xi32>
        %and3A_197 = arith.constant -65536 : i32
        %and3A_198 = vector.broadcast %and3A_197 : i32 to vector<16xi32>
        %and3A_199 = arith.andi %get3A_196, %and3A_198 : vector<16xi32>
        %bitcast_convert_type3A_200 = tpu.bitcast %and3A_199 : vector<16xi32> -> vector<16xf32>
        %shift_left3A_201 = arith.constant 16 : i32
        %shift_left3A_202 = vector.broadcast %shift_left3A_201 : i32 to vector<16xi32>
        %shift_left3A_203 = arith.shli %get3A_196, %shift_left3A_202 : vector<16xi32>
        %bitcast_convert_type3A_204 = tpu.bitcast %shift_left3A_203 : vector<16xi32> -> vector<16xf32>
        %sub3A_205 = arith.subf %bitcast_convert_type3A_204, %bitcast_convert_type3A_200 : vector<16xf32>
        %mul3A_206 = arith.mulf %get3A_149, %sub3A_205 : vector<16xf32>
        %add3A_207 = arith.addf %bitcast_convert_type3A_200, %mul3A_206 : vector<16xf32>
        %sub3A_208 = arith.subf %add3A_179, %add3A_165 : vector<16xf32>
        %mul3A_209 = arith.mulf %get3A_152, %sub3A_208 : vector<16xf32>
        %add3A_210 = arith.addf %add3A_165, %mul3A_209 : vector<16xf32>
        %sub3A_211 = arith.subf %add3A_207, %add3A_193 : vector<16xf32>
        %mul3A_212 = arith.mulf %get3A_152, %sub3A_211 : vector<16xf32>
        %add3A_213 = arith.addf %add3A_193, %mul3A_212 : vector<16xf32>
        %sub3A_214 = arith.subf %add3A_213, %add3A_210 : vector<16xf32>
        %mul3A_215 = arith.mulf %get3A_155, %sub3A_214 : vector<16xf32>
        %add3A_216 = arith.addf %add3A_210, %mul3A_215 : vector<16xf32>
        %swap3A = arith.index_cast %mul3A_147 : i32 to index
        %swap3A_217 = tpu.vector_load %arg13[%swap3A] {strides = array<i32>} : memref<2048xf32, #tpu.memory_space<vmem>>, vector<16xf32>,
        %swap3A_218 = vector.shape_cast %swap3A_217 : vector<16xf32> to vector<16xf32>
        %swap3A_219 = vector.shape_cast %add3A_216 : vector<16xf32> to vector<16xf32>
        tpu.vector_store %arg13[%swap3A], %swap3A_219 {strides = array<i32>} : memref<2048xf32, #tpu.memory_space<vmem>>, vector<16xf32>,
      }
      %scan3A_139 = arith.constant 128 : i32
      %mul3A_140 = arith.constant 2048 : i32
      %mul3A_141 = arith.muli %mul3A_46, %mul3A_140 : i32
      %add3A_142 = arith.addi %mul3A_2, %mul3A_141 : i32
      %dma_start3A_143 = tpu.memref_slice %arg6[%add3A_142] : memref<2097152xf32, #tpu.memory_space<hbm>> -> memref<2048xf32, #tpu.memory_space<hbm>>
      %dma_start3A_144 = tpu.memref_slice %arg6[%add3A_142] : memref<2097152xf32, #tpu.memory_space<hbm>> -> memref<2048xf32, #tpu.memory_space<hbm>>
      tpu.enqueue_dma source(%arg13 : memref<2048xf32, #tpu.memory_space<vmem>>) target(%dma_start3A_144 : memref<2048xf32, #tpu.memory_space<hbm>>) target_semaphore(%arg41 : memref<!tpu.dma_semaphore, #tpu.memory_space<semaphore_mem>>)
    }
    %scan3A_14 = arith.constant 16 : i32
    %dma_wait3A = arith.constant 0 : i32
    %dma_wait3A_15 = tpu.memref_slice %arg5[%dma_wait3A] : memref<2097152xi32, #tpu.memory_space<hbm>> -> memref<2097152xi32, #tpu.memory_space<hbm>>
    tpu.wait_indirect_dma semaphore(%arg40 : memref<!tpu.dma_semaphore, #tpu.memory_space<semaphore_mem>>) src(%dma_wait3A_15 : memref<2097152xi32, #tpu.memory_space<hbm>>) dst(%arg33 : memref<2048xi32, #tpu.memory_space<vmem>>)
    %dma_wait3A_16 = arith.constant 0 : i32
    %dma_wait3A_17 = tpu.memref_slice %arg5[%dma_wait3A_16] : memref<2097152xi32, #tpu.memory_space<hbm>> -> memref<2097152xi32, #tpu.memory_space<hbm>>
    tpu.wait_indirect_dma semaphore(%arg40 : memref<!tpu.dma_semaphore, #tpu.memory_space<semaphore_mem>>) src(%dma_wait3A_17 : memref<2097152xi32, #tpu.memory_space<hbm>>) dst(%arg34 : memref<2048xi32, #tpu.memory_space<vmem>>)
    %dma_wait3A_18 = arith.constant 0 : i32
    %dma_wait3A_19 = tpu.memref_slice %arg5[%dma_wait3A_18] : memref<2097152xi32, #tpu.memory_space<hbm>> -> memref<2097152xi32, #tpu.memory_space<hbm>>
    tpu.wait_indirect_dma semaphore(%arg40 : memref<!tpu.dma_semaphore, #tpu.memory_space<semaphore_mem>>) src(%dma_wait3A_19 : memref<2097152xi32, #tpu.memory_space<hbm>>) dst(%arg35 : memref<2048xi32, #tpu.memory_space<vmem>>)
    %dma_wait3A_20 = arith.constant 0 : i32
    %dma_wait3A_21 = tpu.memref_slice %arg5[%dma_wait3A_20] : memref<2097152xi32, #tpu.memory_space<hbm>> -> memref<2097152xi32, #tpu.memory_space<hbm>>
    tpu.wait_indirect_dma semaphore(%arg40 : memref<!tpu.dma_semaphore, #tpu.memory_space<semaphore_mem>>) src(%dma_wait3A_21 : memref<2097152xi32, #tpu.memory_space<hbm>>) dst(%arg36 : memref<2048xi32, #tpu.memory_space<vmem>>)
    %dma_wait3A_22 = arith.constant 0 : i32
    %dma_wait3A_23 = tpu.memref_slice %arg6[%dma_wait3A_22] : memref<2097152xf32, #tpu.memory_space<hbm>> -> memref<2048xf32, #tpu.memory_space<hbm>>
    %dma_wait3A_24 = arith.constant 0 : i32
    %dma_wait3A_25 = tpu.memref_slice %arg6[%dma_wait3A_24] : memref<2097152xf32, #tpu.memory_space<hbm>> -> memref<2048xf32, #tpu.memory_space<hbm>>
    tpu.wait_dma2 semaphore(%arg42 : memref<!tpu.dma_semaphore, #tpu.memory_space<semaphore_mem>>) src(%arg28 : memref<2048xf32, #tpu.memory_space<vmem>>) dst(%dma_wait3A_25 : memref<2048xf32, #tpu.memory_space<hbm>>)
    %scan3A_26 = arith.constant 0 : i32
    %scan3A_27 = arith.constant 0 : i32
    %scan3A_28 = arith.constant 128 : i32
    %scan3A_29 = arith.addi %scan3A_27, %scan3A_28 : i32
    %scan3A_30 = arith.constant 1 : i32
    scf.for %scan3A_44 = %scan3A_27 to %scan3A_29 step %scan3A_30  : i32 {
      %mul3A_45 = arith.constant 16 : i32
      %mul3A_46 = arith.muli %scan3A_44, %mul3A_45 : i32
      %get3A = arith.index_cast %mul3A_46 : i32 to index
      %get3A_47 = tpu.vector_load %arg25[%get3A] {strides = array<i32>} : memref<2048xf32, #tpu.memory_space<vmem>>, vector<16xf32>,
      %get3A_48 = vector.shape_cast %get3A_47 : vector<16xf32> to vector<16xf32>
      %get3A_49 = arith.index_cast %mul3A_46 : i32 to index
      %get3A_50 = tpu.vector_load %arg26[%get3A_49] {strides = array<i32>} : memref<2048xf32, #tpu.memory_space<vmem>>, vector<16xf32>,
      %get3A_51 = vector.shape_cast %get3A_50 : vector<16xf32> to vector<16xf32>
      %get3A_52 = arith.index_cast %mul3A_46 : i32 to index
      %get3A_53 = tpu.vector_load %arg27[%get3A_52] {strides = array<i32>} : memref<2048xf32, #tpu.memory_space<vmem>>, vector<16xf32>,
      %get3A_54 = vector.shape_cast %get3A_53 : vector<16xf32> to vector<16xf32>
      %get3A_55 = arith.index_cast %mul3A_46 : i32 to index
      %get3A_56 = tpu.vector_load %arg33[%get3A_55] {strides = array<i32>} : memref<2048xi32, #tpu.memory_space<vmem>>, vector<16xi32>,
      %get3A_57 = vector.shape_cast %get3A_56 : vector<16xi32> to vector<16xi32>
      %and3A = arith.constant -65536 : i32
      %and3A_58 = vector.broadcast %and3A : i32 to vector<16xi32>
      %and3A_59 = arith.andi %get3A_57, %and3A_58 : vector<16xi32>
      %bitcast_convert_type3A = tpu.bitcast %and3A_59 : vector<16xi32> -> vector<16xf32>
      %shift_left3A = arith.constant 16 : i32
      %shift_left3A_60 = vector.broadcast %shift_left3A : i32 to vector<16xi32>
      %shift_left3A_61 = arith.shli %get3A_57, %shift_left3A_60 : vector<16xi32>
      %bitcast_convert_type3A_62 = tpu.bitcast %shift_left3A_61 : vector<16xi32> -> vector<16xf32>
      %sub3A = arith.subf %bitcast_convert_type3A_62, %bitcast_convert_type3A : vector<16xf32>
      %mul3A_63 = arith.mulf %get3A_48, %sub3A : vector<16xf32>
      %add3A_64 = arith.addf %bitcast_convert_type3A, %mul3A_63 : vector<16xf32>
      %get3A_65 = arith.index_cast %mul3A_46 : i32 to index
      %get3A_66 = tpu.vector_load %arg34[%get3A_65] {strides = array<i32>} : memref<2048xi32, #tpu.memory_space<vmem>>, vector<16xi32>,
      %get3A_67 = vector.shape_cast %get3A_66 : vector<16xi32> to vector<16xi32>
      %and3A_68 = arith.constant -65536 : i32
      %and3A_69 = vector.broadcast %and3A_68 : i32 to vector<16xi32>
      %and3A_70 = arith.andi %get3A_67, %and3A_69 : vector<16xi32>
      %bitcast_convert_type3A_71 = tpu.bitcast %and3A_70 : vector<16xi32> -> vector<16xf32>
      %shift_left3A_72 = arith.constant 16 : i32
      %shift_left3A_73 = vector.broadcast %shift_left3A_72 : i32 to vector<16xi32>
      %shift_left3A_74 = arith.shli %get3A_67, %shift_left3A_73 : vector<16xi32>
      %bitcast_convert_type3A_75 = tpu.bitcast %shift_left3A_74 : vector<16xi32> -> vector<16xf32>
      %sub3A_76 = arith.subf %bitcast_convert_type3A_75, %bitcast_convert_type3A_71 : vector<16xf32>
      %mul3A_77 = arith.mulf %get3A_48, %sub3A_76 : vector<16xf32>
      %add3A_78 = arith.addf %bitcast_convert_type3A_71, %mul3A_77 : vector<16xf32>
      %get3A_79 = arith.index_cast %mul3A_46 : i32 to index
      %get3A_80 = tpu.vector_load %arg35[%get3A_79] {strides = array<i32>} : memref<2048xi32, #tpu.memory_space<vmem>>, vector<16xi32>,
      %get3A_81 = vector.shape_cast %get3A_80 : vector<16xi32> to vector<16xi32>
      %and3A_82 = arith.constant -65536 : i32
      %and3A_83 = vector.broadcast %and3A_82 : i32 to vector<16xi32>
      %and3A_84 = arith.andi %get3A_81, %and3A_83 : vector<16xi32>
      %bitcast_convert_type3A_85 = tpu.bitcast %and3A_84 : vector<16xi32> -> vector<16xf32>
      %shift_left3A_86 = arith.constant 16 : i32
      %shift_left3A_87 = vector.broadcast %shift_left3A_86 : i32 to vector<16xi32>
      %shift_left3A_88 = arith.shli %get3A_81, %shift_left3A_87 : vector<16xi32>
      %bitcast_convert_type3A_89 = tpu.bitcast %shift_left3A_88 : vector<16xi32> -> vector<16xf32>
      %sub3A_90 = arith.subf %bitcast_convert_type3A_89, %bitcast_convert_type3A_85 : vector<16xf32>
      %mul3A_91 = arith.mulf %get3A_48, %sub3A_90 : vector<16xf32>
      %add3A_92 = arith.addf %bitcast_convert_type3A_85, %mul3A_91 : vector<16xf32>
      %get3A_93 = arith.index_cast %mul3A_46 : i32 to index
      %get3A_94 = tpu.vector_load %arg36[%get3A_93] {strides = array<i32>} : memref<2048xi32, #tpu.memory_space<vmem>>, vector<16xi32>,
      %get3A_95 = vector.shape_cast %get3A_94 : vector<16xi32> to vector<16xi32>
      %and3A_96 = arith.constant -65536 : i32
      %and3A_97 = vector.broadcast %and3A_96 : i32 to vector<16xi32>
      %and3A_98 = arith.andi %get3A_95, %and3A_97 : vector<16xi32>
      %bitcast_convert_type3A_99 = tpu.bitcast %and3A_98 : vector<16xi32> -> vector<16xf32>
      %shift_left3A_100 = arith.constant 16 : i32
      %shift_left3A_101 = vector.broadcast %shift_left3A_100 : i32 to vector<16xi32>
      %shift_left3A_102 = arith.shli %get3A_95, %shift_left3A_101 : vector<16xi32>
      %bitcast_convert_type3A_103 = tpu.bitcast %shift_left3A_102 : vector<16xi32> -> vector<16xf32>
      %sub3A_104 = arith.subf %bitcast_convert_type3A_103, %bitcast_convert_type3A_99 : vector<16xf32>
      %mul3A_105 = arith.mulf %get3A_48, %sub3A_104 : vector<16xf32>
      %add3A_106 = arith.addf %bitcast_convert_type3A_99, %mul3A_105 : vector<16xf32>
      %sub3A_107 = arith.subf %add3A_78, %add3A_64 : vector<16xf32>
      %mul3A_108 = arith.mulf %get3A_51, %sub3A_107 : vector<16xf32>
      %add3A_109 = arith.addf %add3A_64, %mul3A_108 : vector<16xf32>
      %sub3A_110 = arith.subf %add3A_106, %add3A_92 : vector<16xf32>
      %mul3A_111 = arith.mulf %get3A_51, %sub3A_110 : vector<16xf32>
      %add3A_112 = arith.addf %add3A_92, %mul3A_111 : vector<16xf32>
      %sub3A_113 = arith.subf %add3A_112, %add3A_109 : vector<16xf32>
      %mul3A_114 = arith.mulf %get3A_54, %sub3A_113 : vector<16xf32>
      %add3A_115 = arith.addf %add3A_109, %mul3A_114 : vector<16xf32>
      %swap3A = arith.index_cast %mul3A_46 : i32 to index
      %swap3A_116 = tpu.vector_load %arg28[%swap3A] {strides = array<i32>} : memref<2048xf32, #tpu.memory_space<vmem>>, vector<16xf32>,
      %swap3A_117 = vector.shape_cast %swap3A_116 : vector<16xf32> to vector<16xf32>
      %swap3A_118 = vector.shape_cast %add3A_115 : vector<16xf32> to vector<16xf32>
      tpu.vector_store %arg28[%swap3A], %swap3A_118 {strides = array<i32>} : memref<2048xf32, #tpu.memory_space<vmem>>, vector<16xf32>,
    }
    %scan3A_31 = arith.constant 128 : i32
    %add3A_32 = arith.constant 63488 : i32
    %add3A_33 = arith.addi %mul3A_2, %add3A_32 : i32
    %dma_start3A_34 = tpu.memref_slice %arg6[%add3A_33] : memref<2097152xf32, #tpu.memory_space<hbm>> -> memref<2048xf32, #tpu.memory_space<hbm>>
    %dma_start3A_35 = tpu.memref_slice %arg6[%add3A_33] : memref<2097152xf32, #tpu.memory_space<hbm>> -> memref<2048xf32, #tpu.memory_space<hbm>>
    tpu.enqueue_dma source(%arg28 : memref<2048xf32, #tpu.memory_space<vmem>>) target(%dma_start3A_35 : memref<2048xf32, #tpu.memory_space<hbm>>) target_semaphore(%arg42 : memref<!tpu.dma_semaphore, #tpu.memory_space<semaphore_mem>>)
    %dma_wait3A_36 = arith.constant 0 : i32
    %dma_wait3A_37 = tpu.memref_slice %arg6[%dma_wait3A_36] : memref<2097152xf32, #tpu.memory_space<hbm>> -> memref<2048xf32, #tpu.memory_space<hbm>>
    %dma_wait3A_38 = arith.constant 0 : i32
    %dma_wait3A_39 = tpu.memref_slice %arg6[%dma_wait3A_38] : memref<2097152xf32, #tpu.memory_space<hbm>> -> memref<2048xf32, #tpu.memory_space<hbm>>
    tpu.wait_dma2 semaphore(%arg41 : memref<!tpu.dma_semaphore, #tpu.memory_space<semaphore_mem>>) src(%arg13 : memref<2048xf32, #tpu.memory_space<vmem>>) dst(%dma_wait3A_39 : memref<2048xf32, #tpu.memory_space<hbm>>)
    %dma_wait3A_40 = arith.constant 0 : i32
    %dma_wait3A_41 = tpu.memref_slice %arg6[%dma_wait3A_40] : memref<2097152xf32, #tpu.memory_space<hbm>> -> memref<2048xf32, #tpu.memory_space<hbm>>
    %dma_wait3A_42 = arith.constant 0 : i32
    %dma_wait3A_43 = tpu.memref_slice %arg6[%dma_wait3A_42] : memref<2097152xf32, #tpu.memory_space<hbm>> -> memref<2048xf32, #tpu.memory_space<hbm>>
    tpu.wait_dma2 semaphore(%arg42 : memref<!tpu.dma_semaphore, #tpu.memory_space<semaphore_mem>>) src(%arg28 : memref<2048xf32, #tpu.memory_space<vmem>>) dst(%dma_wait3A_43 : memref<2048xf32, #tpu.memory_space<hbm>>)
    return
  }
}

module attributes {stable_mosaic.version = 14 : i64} {
  func.func @_pack_body(%arg0: i32, %arg1: memref<2048x128xf32, #tpu.memory_space<vmem>>, %arg2: memref<2048x128xi32, #tpu.memory_space<vmem>>) attributes {dimension_semantics = [#tpu.dimension_semantics<arbitrary>], iteration_bounds = array<i64: 8>, scalar_prefetch = 0 : i64, scratch_operands = 0 : i64, tpu.core_type = #tpu.core_type<tc>, window_params = [{transform_indices = @transform_0, window_bounds = array<i64: 2048, 128>}, {transform_indices = @transform_1, window_bounds = array<i64: 2048, 128>}]} {
    %get3A = arith.constant 0 : index
    %get3A_0 = arith.constant 0 : index
    %get3A_1 = vector.load %arg1[%get3A, %get3A_0] : memref<2048x128xf32, #tpu.memory_space<vmem>>, vector<2048x128xf32>
    %iota3A = tpu.iota {dimensions = array<i32: 1>} : vector<2048x128xi32>
    %lt3A = arith.constant 127 : i32
    %lt3A_2 = vector.broadcast %lt3A : i32 to vector<2048x128xi32>
    %lt3A_3 = arith.cmpi slt, %iota3A, %lt3A_2 : vector<2048x128xi32>
    %roll3A = arith.constant 127 : i32
    %roll3A_4 = tpu.dynamic_rotate %get3A_1 by %roll3A dim 1 : vector<2048x128xf32>, i32 -> vector<2048x128xf32>
    %select_n3A = arith.select %lt3A_3, %roll3A_4, %get3A_1 : vector<2048x128xi1>, vector<2048x128xf32>
    %bitcast_convert_type3A = tpu.bitcast %get3A_1 : vector<2048x128xf32> -> vector<2048x128xi32>
    %bitcast_convert_type3A_5 = tpu.bitcast %select_n3A : vector<2048x128xf32> -> vector<2048x128xi32>
    %add3A = arith.constant 32767 : i32
    %add3A_6 = vector.broadcast %add3A : i32 to vector<2048x128xi32>
    %add3A_7 = arith.addi %bitcast_convert_type3A, %add3A_6 : vector<2048x128xi32>
    %shift_right_logical3A = arith.constant 16 : i32
    %shift_right_logical3A_8 = vector.broadcast %shift_right_logical3A : i32 to vector<2048x128xi32>
    %shift_right_logical3A_9 = arith.shrui %bitcast_convert_type3A, %shift_right_logical3A_8 : vector<2048x128xi32>
    %and3A = arith.constant 1 : i32
    %and3A_10 = vector.broadcast %and3A : i32 to vector<2048x128xi32>
    %and3A_11 = arith.andi %shift_right_logical3A_9, %and3A_10 : vector<2048x128xi32>
    %add3A_12 = arith.addi %add3A_7, %and3A_11 : vector<2048x128xi32>
    %add3A_13 = arith.constant 32767 : i32
    %add3A_14 = vector.broadcast %add3A_13 : i32 to vector<2048x128xi32>
    %add3A_15 = arith.addi %bitcast_convert_type3A_5, %add3A_14 : vector<2048x128xi32>
    %shift_right_logical3A_16 = arith.constant 16 : i32
    %shift_right_logical3A_17 = vector.broadcast %shift_right_logical3A_16 : i32 to vector<2048x128xi32>
    %shift_right_logical3A_18 = arith.shrui %bitcast_convert_type3A_5, %shift_right_logical3A_17 : vector<2048x128xi32>
    %and3A_19 = arith.constant 1 : i32
    %and3A_20 = vector.broadcast %and3A_19 : i32 to vector<2048x128xi32>
    %and3A_21 = arith.andi %shift_right_logical3A_18, %and3A_20 : vector<2048x128xi32>
    %add3A_22 = arith.addi %add3A_15, %and3A_21 : vector<2048x128xi32>
    %and3A_23 = arith.constant -65536 : i32
    %and3A_24 = vector.broadcast %and3A_23 : i32 to vector<2048x128xi32>
    %and3A_25 = arith.andi %add3A_12, %and3A_24 : vector<2048x128xi32>
    %shift_right_logical3A_26 = arith.constant 16 : i32
    %shift_right_logical3A_27 = vector.broadcast %shift_right_logical3A_26 : i32 to vector<2048x128xi32>
    %shift_right_logical3A_28 = arith.shrui %add3A_22, %shift_right_logical3A_27 : vector<2048x128xi32>
    %or3A = arith.ori %and3A_25, %shift_right_logical3A_28 : vector<2048x128xi32>
    %bitcast_convert_type3A_29 = tpu.bitcast %or3A : vector<2048x128xi32> -> vector<2048x128xi32>
    %swap3A = arith.constant 0 : index
    %swap3A_30 = arith.constant 0 : index
    %swap3A_31 = vector.load %arg2[%swap3A, %swap3A_30] : memref<2048x128xi32, #tpu.memory_space<vmem>>, vector<2048x128xi32>
    tpu.vector_store %arg2[%swap3A, %swap3A_30], %bitcast_convert_type3A_29 {strides = array<i32>} : memref<2048x128xi32, #tpu.memory_space<vmem>>, vector<2048x128xi32>,
    return
  }
  func.func @transform_0(%arg0: i32) -> (i32, i32) {
    %c0_i32 = arith.constant 0 : i32
    %c0_i32_0 = arith.constant 0 : i32
    return %arg0, %c0_i32 : i32, i32
  }
  func.func @transform_1(%arg0: i32) -> (i32, i32) {
    %c0_i32 = arith.constant 0 : i32
    %c0_i32_0 = arith.constant 0 : i32
    return %arg0, %c0_i32 : i32, i32
  }
}

</mosaic_0001>

<sc_bundles>
// kernel: kernel.4.cloned.1.call-start
scs
__scs_entry_jumppad:
0x0: {  	(pc) =	sbr.rel $0x88, $3  }
0x1: {  	(tag) =	ssettag $0x0;
	lr =	simm.s32 $0x1  }
0x2: {  	[smem:$0x3F9F] =	sst lr;
	_ =	strace $0xD0000000  }
0x3: {  	_ = 	snop  }
0x4: {  	_ = 	snop  }
0x5: {  	_ = 	snop  }
0x6: {  	_ = 	snop  }
0x7: {  	_ = 	snop  }
__scs_overlays_trampoline_lowered:
0x8: {  	[smem:$0x3FAE] =	sst s0  }
0x9: {  	[smem:$0x3FAF] =	sst s1  }
0xa: {  	[smem:$0x3FB0] =	sst s2  }
0xb: {  	[smem:$0x3FB1] =	sst s3  }
0xc: {  	[smem:$0x3FB2] =	sst s4  }
0xd: {  	[smem:$0x3FB3] =	sst s5  }
0xe: {  	[smem:$0x3FB4] =	sst s6  }
0xf: {  	[smem:$0x3FB5] =	sst s7  }
0x10: {  	[smem:$0x3FB6] =	sst s8  }
0x11: {  	[smem:$0x3FB7] =	sst s9;
	s0 =	simm.s32 @!p0 $0x0  }
0x12: {  	s1 =	sld [smem:$0x3F9D];
	s0 =	simm.s32 @p0 $0x1  }
0x13: {  	[smem:$0x3FB8] =	sst s0;
	s0 =	simm.s32 @!p1 $0x0  }
0x14: {  	s2 =	sld [smem:$0x3F9C];
	s0 =	simm.s32 @p1 $0x1  }
0x15: {  	[smem:$0x3FB9] =	sst s0;
	s0 =	simm.s32 @!p2 $0x0  }
0x16: {  	s3 =	sld [smem:$0x3FDB];
	s0 =	simm.s32 @p2 $0x1  }
0x17: {  	s4 =	simm.s32 $0x1BF5;
	[smem:$0x3FBB] =	sst s0  }
0x18: {  	s0 =	sld [smem:$0x3F9E];
	_ =	swait.ge [sflag:s4], $0x0  }
0x19: {  	s7 =	sld [smem:$0x3F9F]  }
0x1a: {  	s8 =	sadd.s32 $0xFFFFE003, lr  }
0x1b: {  	s9 =	sadd.s32 $0xFFFFFEF7, lr;
	s5 =	simm.s32 $0xFFFFFFFF;
	p2 =	slt.u32 s8, $0xFFFFF086  }
0x1c: {  	p1 =	slt.u32 s9, $0xF7A;
	s5 =	simm.s32 @!p2 $0x0  }
0x1d: {  	s5 =	simm.s32 @p1 $0x1;
	p0 =	seq.s32 s7, s2  }
0x1e: {  	s7 =	smul.u32 @!p0 $0xF7A, s2;
	p2 =	seq.s32 @!p0 s5, $0x0  }
0x1f: {  	s9 =	smul.u32 $0xF7A, s1;
	s8 =	simm.s32 @!p0 $0x1BF5;
	p2 =	por !p2, p0  }
0x20: {  	[sflag:s8] =	ssyncset.s32 @!p0 $0xFFFFF086;
	s6 =	sadd.s32 @!p0 s3, s7;
	s7 =	simm.s32 @!p0 $0x108  }
0x21: {  	s3 =	sadd.s32 s3, s9;
	s6 =	sadd.s32 @!p0 $0x88, s6;
	s7 =	simm.s32 @p2 $0x1082  }
0x22: {  	[simem:s7], [sflag:s8] =	dma.local @!p0 [hbm:s6], $0xF7A  }
0x23: {  	s9 =	sor.u32 $0xD0000000, s2;
	s6 =	simm.s32 $0x108;
	_ =	swait.ge @!p0 [sflag:s8], $0x0  }
0x24: {  	s3 =	sadd.s32 $0x88, s3;
	s6 =	simm.s32 @!p1 $0x1082;
	[sflag:s4] =	ssyncset.s32 $0xFFFFF086  }
0x25: {  	[simem:s6], [sflag:s4] =	dma.local [hbm:s3], $0xF7A  }
0x26: {  	[smem:$0x3F9F] =	sst s1;
	(tag) =	ssettag s2;
	_ =	strace s9  }
0x27: {  	s1 =	sld [smem:$0x3FAF]  }
0x28: {  	s2 =	sld [smem:$0x3FB0]  }
0x29: {  	s4 =	sld [smem:$0x3FB2]  }
0x2a: {  	p0 =	seq.s32 s5, $0x0;
	s5 =	sld [smem:$0x3FB3]  }
0x2b: {  	s6 =	sld [smem:$0x3FB4]  }
0x2c: {  	s7 =	sld [smem:$0x3FB5]  }
0x2d: {  	s3 =	simm.s32 $0x108;
	s8 =	sld [smem:$0x3FB6]  }
0x2e: {  	s3 =	simm.s32 @!p0 $0x1082;
	s9 =	sld [smem:$0x3FB7]  }
0x2f: {  	lr =	sadd.s32 s0, s3;
	s0 =	sld [smem:$0x3FAE]  }
0x30: {  	s3 =	sld [smem:$0x3FB1]  }
0x31: {  	[smem:$0x3FBA] =	sst s10  }
0x32: {  	s10 =	sld [smem:$0x3FB8];
	_ =	sdelay $0x3  }
0x33: {  	p0 =	seq.s32 s10, $0x1;
	s10 =	sld [smem:$0x3FBA];
	_ =	sdelay $0x3  }
0x34: {  	[smem:$0x3FBA] =	sst s10  }
0x35: {  	s10 =	sld [smem:$0x3FB9];
	_ =	sdelay $0x3  }
0x36: {  	p1 =	seq.s32 s10, $0x1;
	s10 =	sld [smem:$0x3FBA];
	_ =	sdelay $0x3  }
0x37: {  	[smem:$0x3FBA] =	sst s10  }
0x38: {  	s10 =	sld [smem:$0x3FBB]  }
0x39: {  	_ = 	snop;
	(pc) =	sbr.ind lr, $3  }
0x3a: {  	_ = 	snop  }
0x3b: {  	_ = 	snop  }
0x3c: {  	p2 =	seq.s32 s10, $0x1;
	s10 =	sld [smem:$0x3FBA]  }
0x3d: {  	_ =	shalt  }
0x3e: {  	_ =	shalt  }
0x3f: {  	_ =	shalt  }
0x40: {  	_ =	shalt  }
0x41: {  	_ =	shalt  }
0x42: {  	_ =	shalt  }
0x43: {  	_ =	shalt  }
0x44: {  	_ =	shalt  }
0x45: {  	_ =	shalt  }
0x46: {  	_ =	shalt  }
0x47: {  	_ =	shalt  }
0x48: {  	_ =	shalt  }
0x49: {  	_ =	shalt  }
0x4a: {  	_ =	shalt  }
0x4b: {  	_ =	shalt  }
0x4c: {  	_ =	shalt  }
0x4d: {  	_ =	shalt  }
0x4e: {  	_ =	shalt  }
0x4f: {  	_ =	shalt  }
0x50: {  	_ =	shalt  }
0x51: {  	_ =	shalt  }
0x52: {  	_ =	shalt  }
0x53: {  	_ =	shalt  }
0x54: {  	_ =	shalt  }
0x55: {  	_ =	shalt  }
0x56: {  	_ =	shalt  }
0x57: {  	_ =	shalt  }
0x58: {  	_ =	shalt  }
0x59: {  	_ =	shalt  }
0x5a: {  	_ =	shalt  }
0x5b: {  	_ =	shalt  }
0x5c: {  	_ =	shalt  }
0x5d: {  	_ =	shalt  }
0x5e: {  	_ =	shalt  }
0x5f: {  	_ =	shalt  }
0x60: {  	_ =	shalt  }
0x61: {  	_ =	shalt  }
0x62: {  	_ =	shalt  }
0x63: {  	_ =	shalt  }
0x64: {  	_ =	shalt  }
0x65: {  	_ =	shalt  }
0x66: {  	_ =	shalt  }
0x67: {  	_ =	shalt  }
0x68: {  	_ =	shalt  }
0x69: {  	_ =	shalt  }
0x6a: {  	_ =	shalt  }
0x6b: {  	_ =	shalt  }
0x6c: {  	_ =	shalt  }
0x6d: {  	_ =	shalt  }
0x6e: {  	_ =	shalt  }
0x6f: {  	_ =	shalt  }
0x70: {  	_ =	shalt  }
0x71: {  	_ =	shalt  }
0x72: {  	_ =	shalt  }
0x73: {  	_ =	shalt  }
0x74: {  	_ =	shalt  }
0x75: {  	_ =	shalt  }
0x76: {  	_ =	shalt  }
0x77: {  	_ =	shalt  }
0x78: {  	_ =	shalt  }
0x79: {  	_ =	shalt  }
0x7a: {  	_ =	shalt  }
0x7b: {  	_ =	shalt  }
0x7c: {  	_ =	shalt  }
0x7d: {  	_ =	shalt  }
0x7e: {  	_ =	shalt  }
0x7f: {  	_ =	shalt  }
0x80: {  	_ =	shalt  }
0x81: {  	_ =	shalt  }
0x82: {  	_ =	shalt  }
0x83: {  	_ =	shalt  }
0x84: {  	_ =	shalt  }
0x85: {  	_ =	shalt  }
0x86: {  	_ =	shalt  }
0x87: {  	_ =	shalt  }
.Lfunc_end0:
.L_simem_size_0:
called_computation_lowered:
.L_overlay_start_0:
0x88: {  	s2 =	sld [smem:$0x3FD9]  }
0x89: {  	s3 =	sld [smem:$0x3FFE];
	_ =	sdelay $0x1  }
0x8a: {  	s1 =	srdreg.scid  }
0x8b: {  	s0 =	sand.u32 $0x1, s1  }
0x8c: {  	s17 =	sshll.u32 s0, $0xA;
	s2 =	sadd.s32 s3, s2  }
0x8d: {  	s2 =	sadd.s32 s2, s17  }
0x8e: {  	[smem:$0x3FC6] =	sst s2  }
0x8f: {  	_ = 	snop  }
0x90: {  	s2 =	sld [smem:$0x3FD0];
	(tm) =	ssettm $0x1  }
0x91: {  	s18 =	sld [smem:$0x3FFB];
	_ =	sdelay $0x3  }
0x92: {  	_ =	strace s18  }
0x93: {  	s3 =	sld [smem:$0x3FFC];
	_ =	sdelay $0x3  }
0x94: {  	_ =	strace s3  }
0x95: {  	s3 =	sld [smem:$0x3FFD];
	_ =	sdelay $0x3  }
0x96: {  	_ =	strace s3  }
0x97: {  	_ =	strace $0x8FFFFFFF  }
0x98: {  	s19 =	sld [smem:$0x3FDB];
	_ =	sdelay $0x1  }
0x99: {  	s4 =	simm.s32 $_scs_section_size  }
0x9a: {  	s5 =	simm.s32 $_size__tile_overlayer_lowered;
	s6 =	simm.s32 $_tile_overlayer_lowered  }
0x9b: {  	s22 =	simm.s32 $0x1BFF;
	s21 =	sshll.u32 s6, $0x1;
	s3 =	sadd.s32 s4, s19  }
0x9c: {  	s7 =	simm.s32 $0x0;
	s20 =	sshll.u32 s5, $0x1;
	s5 =	sadd.s32 s21, s3  }
0x9d: {  	[timem:s7], [sflag:s22] =	dma.local [hbm:s5], s20  }
0x9e: {  	_ =	swait.ge [sflag:s22], s20  }
0x9f: {  	s4 =	ssub.s32 $0x0, s20;
	[sflag:s22] =	ssyncset.done $0x0  }
0xa0: {  	[sflag:s22] =	ssyncadd.s32 s4;
	_ =	sdelay $0x1  }
0xa1: {  	s23 =	simm.s32 $0x1B8B  }
0xa2: {  	_ =	swait.ge [sflag:s23], $0x1  }
0xa3: {  	[sflag:s23] =	ssyncset.done $0x0  }
0xa4: {  	s25 =	simm.s32 $0x1B8E;
	s24 =	sld [smem:$0x3FFE];
	[sflag:s23] =	ssyncadd.s32 $0xFFFFFFFF  }
0xa5: {  	s26 =	simm.s32 $execute0_lowered;
	[smem:$0x3FD2] =	sst s25  }
0xa6: {  	s5 =	sshll.u32 s26, $0x1;
	_ =	strace $0x80000046;
	[dreg:$0x1] =	wrdreg $0xFFFFFFFF  }
0xa7: {  	s28 =	simm.s32 $_size_execute0_lowered;
	s3 =	sadd.s32 s3, s5;
	[dreg:$0x0] =	wrdreg $0x0  }
0xa8: {  	s5 =	sshll.u32 s28, $0x1;
	[dreg:$0x2] =	wrdreg s3  }
0xa9: {  	[dreg:$0x3] =	wrdreg s5  }
0xaa: {  	[dreg:$0x4] =	wrdreg $0xC0  }
0xab: {  	_ =	task [dreg:s7], $0x5FFFF  }
0xac: {  	[dreg:$0x1] =	wrdreg $0xFFFFFFFF  }
0xad: {  	[dreg:$0x0] =	wrdreg $0x60  }
0xae: {  	[dreg:$0x2] =	wrdreg s24  }
0xaf: {  	[dreg:$0x3] =	wrdreg s2  }
0xb0: {  	[dreg:$0x4] =	wrdreg $0x9  }
0xb1: {  	_ =	task.clear_ibuf [dreg:s7], $0x5FFFF;
	_ =	strace $0x90000046  }
0xb2: {  	s29 =	simm.s32 $0x9;
	_ =	strace $0x80000048  }
0xb3: {  	_ =	swait.ge [sflag:s29], $0x1  }
0xb4: {  	[sflag:s29] =	ssyncadd.s32 $0xFFFFFFFF  }
0xb5: {  	_ =	strace $0x90000048  }
0xb6: {  	_ =	sfence  }
0xb7: {  	s30 =	sld [smem:$0x0];
	_ =	sdelay $0x2  }
0xb8: {  	s31 =	sshll.u32 s1, $0xD;
	s1 =	sshrl.u32 s1, $0x2  }
0xb9: {  	s3 =	sand.u32 $0x4000, s31;
	s1 =	sadd.s32 s1, s30  }
0xba: {  	s0 =	sor.u32 s3, s0;
	s1 =	sshll.u32 s1, $0x11  }
0xbb: {  	s0 =	sor.u32 s1, s0  }
0xbc: {  	s0 =	sadd.s32 $0x8F2B, s0  }
0xbd: {  	[sflag:s0] =	ssyncadd.remote.s32 $0x1  }
0xbe: {  	_ =	sfence.sel $0xFFFF  }
0xbf: {  	[dreg:$0x0] =	wrdreg $0xFFFFFFFF;
	(pc) =	sbr.abs _section_cstart, $3  }
0xc0: {  	[dreg:$0x1] =	wrdreg $0xFFFFFFFF  }
0xc1: {  	_ =	task.clear_ibuf [dreg:s7], $0x2FFFF;
	_ =	strace $0x9FFFFFFF  }
0xc2: {  	(tm) =	ssettm $0x7FFFFFFF  }
0xc3: {  	_ =	shalt  }
tec
execute0_lowered:
.L_overlay_start_1:
0x0: {  	(tag) =	ssettag $0x1  }
0x1: {  	s0 =	rddreg [dreg:$0x0]  }
0x2: {  	s1 =	rddreg [dreg:$0x1]  }
0x3: {  	s2 =	simm.s32 $0x0;
	s3 =	srdreg.scid;
	s6 =	stileid.u32  }
0x4: {  	s16 =	simm.s32 $0x800;
	s21 =	simm.s32 $0x1;
	s31 =	simm.s32 $0x6  }
0x5: {  	s11 =	simm.s32 $0xD000;
	s14 =	simm.s32 $0xB800;
	s15 =	simm.s32 $0xD800  }
0x6: {  	s17 =	simm.s32 $0xC000;
	s18 =	simm.s32 $0xC800;
	s19 =	simm.s32 $0xE800  }
0x7: {  	s20 =	simm.s32 $0x3;
	s22 =	simm.s32 $0x3000;
	s23 =	simm.s32 $0x0  }
0x8: {  	[smem:$0x7FF] =	sst s2;
	s4 =	sadd.s32 $0xC0A00, s0;
	s3 =	sand.u32 $0x1, s3  }
0x9: {  	s5 =	sadd.s32 $0x80A00, s0;
	s7 =	sshll.u32 s6, $0x11;
	s8 =	sshll.u32 s3, $0x10  }
0xa: {  	s6 =	sadd.s32 $0x40A00, s0;
	s3 =	ssub.s32 $0x2, s3;
	s7 =	sor.u32 s8, s7  }
0xb: {  	_ =	strace $0x80000047;
	s25 =	sshrl.u32 s3, $0x1;
	s9 =	sshrl.u32 s7, $0x3  }
0xc: {  	s8 =	sadd.s32 $0xA00, s0;
	s0 =	ssub.s32 s3, s25;
	s26 =	sadd.s32 s4, s9  }
0xd: {  	s12 =	sadd.s32 $0xFFFFF800, s7;
	s28 =	sadd.s32 s5, s9;
	[dreg:$0x3] =	wrdreg s26  }
0xe: {  	s13 =	sor.u32 $0x1000, s7;
	s29 =	sadd.s32 s6, s9;
	[dreg:$0x4] =	wrdreg s28  }
0xf: {  	s30 =	sadd.s32 s9, s1;
	s0 =	smax.u32 s0, $0x1;
	[dreg:$0x5] =	wrdreg s29  }
0x10: {  	s9 =	simm.s32 $0x2;
	s3 =	sadd.s32 $0x1F00, s30;
	[dreg:$0x7] =	wrdreg s0  }
0x11: {  	s0 =	simm.s32 $0x4;
	[dreg:$0x6] =	wrdreg s3;
	s3 =	simm.s32 $0xE000  }
.LBB2_1:
0x12: {  	[dreg:$0x8] =	wrdreg s23  }
0x13: {  	s10 =	rddreg [dreg:$0x3]  }
0x14: {  	[tilespmem:s2], [sflag:$0x1] =	stream.linear.gather [hbm4b:s10+s2], $0x800, $0x38;
	[tilespmem:$0xF000] =	vst v63  }
0x15: {  	s28 =	rddreg [dreg:$0x4]  }
0x16: {  	[tilespmem:s16], [sflag:$0x1] =	stream.linear.gather [hbm4b:s28+s2], $0x800, $0x38;
	[tilespmem:$0xF000] =	vst v63  }
0x17: {  	s29 =	rddreg [dreg:$0x5];
	s30 =	simm.s32 $0x1000;
	s23 =	simm.s32 $0x0  }
0x18: {  	[tilespmem:s30], [sflag:$0x1] =	stream.linear.gather [hbm4b:s29+s2], $0x800, $0x38;
	[tilespmem:$0xF000] =	vst v63  }
.LBB2_2:
0x19: {  	s25 =	sshll.u32 s23, $0xC  }
0x1a: {  	s24 =	sor.u32 s25, s7  }
0x1b: {  	s24 =	sshrl.u32 s24, $0x3  }
0x1c: {  	s26 =	sor.u32 $0x100, s24  }
0x1d: {  	s29 =	simm.s32 $0x0;
	s10 =	simm.s32 $0x7800;
	s28 =	sadd.s32 s4, s26  }
0x1e: {  	[tilespmem:s10], [sflag:$0x2] =	stream.linear.gather [hbm4b:s28+s29], $0x800, $0x38;
	[tilespmem:$0xF000] =	vst v63  }
0x1f: {  	s30 =	simm.s32 $0x8000;
	s28 =	sadd.s32 s5, s26  }
0x20: {  	[tilespmem:s30], [sflag:$0x2] =	stream.linear.gather [hbm4b:s28+s29], $0x800, $0x38;
	[tilespmem:$0xF000] =	vst v63  }
0x21: {  	s26 =	sadd.s32 s6, s26;
	s30 =	simm.s32 $0x8800  }
0x22: {  	[tilespmem:s30], [sflag:$0x2] =	stream.linear.gather [hbm4b:s26+s29], $0x800, $0x38;
	[tilespmem:$0xF000] =	vst v63  }
0x23: {  	_ =	swait.ge [sflag:s21], $0x800  }
0x24: {  	[sflag:s21] =	ssyncset.done $0x0  }
0x25: {  	[sflag:s21] =	ssyncadd.s32 $0xFFFFF800  }
0x26: {  	_ =	swait.ge [sflag:s21], $0x800  }
0x27: {  	[sflag:s21] =	ssyncset.done $0x0  }
0x28: {  	[sflag:s21] =	ssyncadd.s32 $0xFFFFF800  }
0x29: {  	_ =	swait.ge [sflag:s21], $0x800  }
0x2a: {  	[sflag:s21] =	ssyncset.done $0x0  }
0x2b: {  	s26 =	simm.s32 $0x0;
	[sflag:s21] =	ssyncadd.s32 $0xFFFFF800  }
0x2c: {  	v0 =	vld [tilespmem:s26+$0x1000]  }
0x2d: {  	v1 =	vld [tilespmem:s26+$0x800]  }
0x2e: {  	v2 =	vld [tilespmem:s26+$0x0];
	_ =	sdelay $0x2  }
0x2f: {  	v0 =	vmul.f32 $6.400000000e+01, v0  }
0x30: {  	v1 =	vmul.f32 $6.400000000e+01, v1  }
0x31: {  	v2 =	vmul.f32 $6.400000000e+01, v2;
	v0 =	vadd.f32 $6.350000000e+01, v0  }
0x32: {  	v1 =	vadd.f32 $6.350000000e+01, v1  }
0x33: {  	v2 =	vadd.f32 $6.350000000e+01, v2;
	v0 =	vmax.f32 v0, $0.0e+00  }
0x34: {  	v1 =	vmax.f32 v1, $0.0e+00;
	v0 =	vmin.f32 v0, $1.270000000e+02  }
0x35: {  	v2 =	vmax.f32 v2, $0.0e+00;
	v1 =	vmin.f32 v1, $1.270000000e+02;
	v3 =	vtrunc.f32 v0  }
0x36: {  	v2 =	vmin.f32 v2, $1.270000000e+02;
	v6 =	vtrunc.f32 v1;
	v4 =	vcvt.f32.s32 v3  }
0x37: {  	s28 =	simm.s32 $0x10;
	s29 =	simm.s32 $0x80;
	v5 =	vtrunc.f32 v2;
	v3 =	vcvt.f32.s32 v6  }
.LBB2_3:
0x38: {  	p0 =	sne.s32 s29, $0x1FC0;
	v6 =	vld [tilespmem:s28+$0x1000];
	v5 =	vcvt.f32.s32 v5;
	v7 =	vcvt.s32.f32 v4;
	v8 =	vadd.s32 $0x1, v4  }
0x39: {  	v11 =	vshll.u32 v4, $0xE;
	v9 =	vld [tilespmem:s28+$0x800];
	v10 =	vadd.s32 $0x1, v3;
	vm0 =	vlt.s32 v8, $0x7F  }
0x3a: {  	v13 =	vshll.u32 v3, $0x7;
	v12 =	vld [tilespmem:s28+$0x0];
	vm1 =	vlt.s32 v10, $0x7F;
	v8 =	vnsel vm0, $0x7F, v8  }
0x3b: {  	v10 =	vnsel vm1, $0x7F, v10;
	v4 =	vsub.s32 v8, v4;
	v8 =	vadd.s32 v5, v13  }
0x3c: {  	v10 =	vsub.s32 v10, v3;
	v4 =	vshll.u32 v4, $0xE;
	v8 =	vadd.s32 v11, v8  }
0x3d: {  	v6 =	vmul.f32 $6.400000000e+01, v6;
	v10 =	vshll.u32 v10, $0x7;
	[tilespmem:s26+$0x3800] =	vst v8;
	v4 =	vadd.s32 v8, v4  }
0x3e: {  	v5 =	vcvt.s32.f32 v5;
	v9 =	vmul.f32 $6.400000000e+01, v9;
	[tilespmem:s26+$0x4800] =	vst v4;
	v4 =	vadd.s32 v10, v4  }
0x3f: {  	v3 =	vcvt.s32.f32 v3;
	v11 =	vmul.f32 $6.400000000e+01, v12;
	v6 =	vadd.f32 $6.350000000e+01, v6;
	[tilespmem:s26+$0x5000] =	vst v4  }
0x40: {  	v2 =	vsub.f32 v2, v5;
	v5 =	vadd.s32 v10, v8;
	v4 =	vadd.f32 $6.350000000e+01, v9  }
.Ltmp0:
0x41: {  	v3 =	vsub.f32 v1, v3;
	v8 =	vadd.f32 $6.350000000e+01, v11;
	v6 =	vmax.f32 v6, $0.0e+00;
	[tilespmem:s26+$0x4000] =	vst v5;
	(pc) =	sbr.rel @p0 .LBB2_3-.Ltmp0, $4  }
0x42: {  	v5 =	vsub.f32 v0, v7;
	v1 =	vmax.f32 v4, $0.0e+00;
	[tilespmem:s26+$0x1800] =	vst v2;
	v0 =	vmin.f32 v6, $1.270000000e+02  }
0x43: {  	v2 =	vmax.f32 v8, $0.0e+00;
	v1 =	vmin.f32 v1, $1.270000000e+02;
	v4 =	vtrunc.f32 v0;
	[tilespmem:s26+$0x2000] =	vst v3  }
0x44: {  	v2 =	vmin.f32 v2, $1.270000000e+02;
	v3 =	vtrunc.f32 v1;
	v4 =	vcvt.f32.s32 v4;
	[tilespmem:s26+$0x2800] =	vst v5;
	s26 =	smov.u32 s28  }
0x45: {  	s28 =	sshra.s32 s29, $0x2;
	s29 =	sadd.s32 $0x40, s29;
	v5 =	vtrunc.f32 v2;
	v3 =	vcvt.f32.s32 v3  }
0x46: {  	v6 =	vld [tilespmem:s28+$0x1000]  }
0x47: {  	v5 =	vcvt.f32.s32 v5;
	v7 =	vcvt.s32.f32 v4;
	v9 =	vld [tilespmem:s28+$0x800]  }
0x48: {  	v8 =	vadd.s32 $0x1, v4;
	v11 =	vshll.u32 v4, $0xE;
	v10 =	vadd.s32 $0x1, v3  }
0x49: {  	v12 =	vld [tilespmem:s28+$0x0];
	vm0 =	vlt.s32 v8, $0x7F;
	v13 =	vshll.u32 v3, $0x7;
	v46 =	vcvt.s32.f32 v3  }
0x4a: {  	vm1 =	vlt.s32 v10, $0x7F;
	v8 =	vnsel vm0, $0x7F, v8;
	v43 =	vadd.s32 v5, v13  }
0x4b: {  	v5 =	vcvt.s32.f32 v5;
	v0 =	vsub.f32 v0, v7;
	v10 =	vnsel vm1, $0x7F, v10  }
0x4c: {  	v42 =	vsub.s32 v8, v4;
	v6 =	vmul.f32 $6.400000000e+01, v6;
	v9 =	vmul.f32 $6.400000000e+01, v9  }
0x4d: {  	v8 =	vadd.s32 v11, v43;
	v1 =	vsub.f32 v1, v46;
	v10 =	vsub.s32 v10, v3  }
0x4e: {  	v44 =	vmul.f32 $6.400000000e+01, v12;
	v6 =	vadd.f32 $6.350000000e+01, v6;
	v9 =	vadd.f32 $6.350000000e+01, v9  }
0x4f: {  	v4 =	vshll.u32 v42, $0xE;
	v2 =	vsub.f32 v2, v5;
	v10 =	vshll.u32 v10, $0x7  }
0x50: {  	v47 =	vadd.f32 $6.350000000e+01, v44;
	v6 =	vmax.f32 v6, $0.0e+00;
	v9 =	vmax.f32 v9, $0.0e+00  }
0x51: {  	v4 =	vadd.s32 v8, v4;
	v6 =	vmin.f32 v6, $1.270000000e+02;
	v9 =	vmin.f32 v9, $1.270000000e+02  }
0x52: {  	[tilespmem:s26+$0x3800] =	vst v8;
	v5 =	vmax.f32 v47, $0.0e+00;
	v48 =	vtrunc.f32 v6;
	v49 =	vtrunc.f32 v9  }
0x53: {  	[tilespmem:s26+$0x2800] =	vst v0;
	v5 =	vmin.f32 v5, $1.270000000e+02;
	v11 =	vcvt.f32.s32 v48;
	v51 =	vcvt.f32.s32 v49  }
0x54: {  	[tilespmem:s26+$0x2000] =	vst v1;
	v45 =	vadd.s32 v10, v4;
	v10 =	vadd.s32 v10, v8;
	v50 =	vtrunc.f32 v5  }
0x55: {  	[tilespmem:s26+$0x4800] =	vst v4;
	v3 =	vcvt.f32.s32 v50;
	v52 =	vadd.s32 $0x1, v11;
	v8 =	vadd.s32 $0x1, v51  }
0x56: {  	[tilespmem:s26+$0x1800] =	vst v2;
	v53 =	vshll.u32 v11, $0xE;
	v55 =	vshll.u32 v51, $0x7;
	v4 =	vcvt.s32.f32 v51  }
0x57: {  	[tilespmem:s26+$0x5000] =	vst v45;
	v60 =	vcvt.s32.f32 v11;
	vm14 =	vlt.s32 v52, $0x7F;
	v7 =	vadd.s32 v3, v55  }
0x58: {  	[tilespmem:s26+$0x4000] =	vst v10;
	v3 =	vcvt.s32.f32 v3;
	v59 =	vadd.s32 v53, v7;
	v62 =	vsub.f32 v9, v4  }
0x59: {  	vm15 =	vlt.s32 v8, $0x7F;
	v54 =	vnsel vm14, $0x7F, v52;
	v63 =	vsub.f32 v6, v60;
	[tilespmem:s28+$0x3800] =	vst v59  }
0x5a: {  	v56 =	vnsel vm15, $0x7F, v8;
	v2 =	vsub.s32 v54, v11;
	v61 =	vsub.f32 v5, v3;
	[tilespmem:s28+$0x2000] =	vst v62  }
0x5b: {  	v57 =	vsub.s32 v56, v51;
	v58 =	vshll.u32 v2, $0xE;
	[tilespmem:s28+$0x2800] =	vst v63  }
0x5c: {  	v0 =	vshll.u32 v57, $0x7;
	v1 =	vadd.s32 v59, v58;
	[tilespmem:s28+$0x1800] =	vst v61  }
0x5d: {  	[tilespmem:s28+$0x4800] =	vst v1;
	v1 =	vadd.s32 v0, v1  }
0x5e: {  	v0 =	vadd.s32 v0, v59;
	[tilespmem:s28+$0x5000] =	vst v1  }
0x5f: {  	s10 =	simm.s32 $0x3800;
	[tilespmem:s28+$0x4000] =	vst v0;
	s28 =	simm.s32 $0x5800  }
0x60: {  	[tilespmem:s28], [sflag:$0x3] =	stream.indirect.gather [hbm4b:s8+s16], $0x1, s10, s16, $0xb8;
	[tilespmem:$0xF000] =	vst v63  }
0x61: {  	s29 =	simm.s32 $0x4000;
	s30 =	simm.s32 $0x6000;
	p0 =	slt.u32 s23, $0x2  }
0x62: {  	[tilespmem:s30], [sflag:$0x3] =	stream.indirect.gather [hbm4b:s8+s16], $0x1, s29, s16, $0xb8;
	[tilespmem:$0xF000] =	vst v63  }
.Ltmp1:
0x63: {  	_ = 	snop;
	(pc) =	sbr.rel @p0 .LBB2_9-.Ltmp1, $4  }
0x64: {  	s26 =	simm.s32 $0x4800;
	s28 =	simm.s32 $0x6800  }
0x65: {  	[tilespmem:s28], [sflag:$0x3] =	stream.indirect.gather [hbm4b:s8+s16], $0x1, s26, s16, $0xb8;
	[tilespmem:$0xF000] =	vst v63  }
0x66: {  	s29 =	simm.s32 $0x5000;
	s30 =	simm.s32 $0x7000  }
0x67: {  	[tilespmem:s30], [sflag:$0x3] =	stream.indirect.gather [hbm4b:s8+s16], $0x1, s29, s16, $0xb8;
	[tilespmem:$0xF000] =	vst v63  }
.Ltmp2:
0x68: {  	(pc) =	sbr.rel .LBB2_6-.Ltmp2, $4  }
0x69: {  	_ = 	snop  }
0x6a: {  	_ =	swait.ge [sflag:s31], $0x800  }
0x6b: {  	[sflag:s31] =	ssyncset.done $0x0  }
0x6c: {  	[sflag:s31] =	ssyncadd.s32 $0xFFFFF800  }
.LBB2_9:
0x6d: {  	p0 =	seq.s32 s23, $0x0  }
.Ltmp3:
0x6e: {  	_ = 	snop;
	(pc) =	sbr.rel @p0 .LBB2_10-.Ltmp3, $1  }
0x6f: {  	_ =	sdelay $0x3  }
.LBB2_6:
0x70: {  	_ =	swait.ge [sflag:s0], $0x800  }
0x71: {  	[sflag:s0] =	ssyncset.done $0x0  }
0x72: {  	[sflag:s0] =	ssyncadd.s32 $0xFFFFF800  }
0x73: {  	_ =	swait.ge [sflag:s0], $0x800  }
0x74: {  	[sflag:s0] =	ssyncset.done $0x0  }
0x75: {  	[sflag:s0] =	ssyncadd.s32 $0xFFFFF800  }
0x76: {  	_ =	swait.ge [sflag:s0], $0x800  }
0x77: {  	[sflag:s0] =	ssyncset.done $0x0  }
0x78: {  	[sflag:s0] =	ssyncadd.s32 $0xFFFFF800  }
0x79: {  	_ =	swait.ge [sflag:s0], $0x800  }
0x7a: {  	[sflag:s0] =	ssyncset.done $0x0  }
0x7b: {  	s28 =	simm.s32 $0x0;
	[sflag:s0] =	ssyncadd.s32 $0xFFFFF800  }
0x7c: {  	v0 =	vld [tilespmem:s28+$0xD000]  }
0x7d: {  	v1 =	vld [tilespmem:s28+$0xD800]  }
0x7e: {  	v2 =	vld [tilespmem:s28+$0xE000]  }
0x7f: {  	v3 =	vld [tilespmem:s28+$0xE800];
	_ =	sdelay $0x2  }
0x80: {  	v5 =	vld [tilespmem:s28+$0x9000];
	v4 =	vand.u32 $0xFFFF0000, v0  }
0x81: {  	s26 =	simm.s32 $0x10;
	v0 =	vshll.u32 v0, $0x10;
	v6 =	vand.u32 $0xFFFF0000, v1;
	v1 =	vshll.u32 v1, $0x10  }
0x82: {  	v7 =	vld [tilespmem:s26+$0xD000];
	v8 =	vand.u32 $0xFFFF0000, v2;
	v2 =	vshll.u32 v2, $0x10;
	v9 =	vand.u32 $0xFFFF0000, v3  }
0x83: {  	v10 =	vld [tilespmem:s26+$0xD800];
	v3 =	vshll.u32 v3, $0x10;
	v0 =	vsub.f32 v0, v4;
	v1 =	vsub.f32 v1, v6  }
0x84: {  	v11 =	vld [tilespmem:s26+$0xE000];
	v2 =	vsub.f32 v2, v8;
	v3 =	vsub.f32 v3, v9  }
0x85: {  	v0 =	vmul.f32 v0, v5;
	v1 =	vmul.f32 v1, v5  }
0x86: {  	v12 =	vld [tilespmem:s26+$0xE800];
	v2 =	vmul.f32 v2, v5;
	v3 =	vmul.f32 v3, v5  }
0x87: {  	v13 =	vld [tilespmem:s28+$0x9800];
	v5 =	vand.u32 $0xFFFF0000, v7;
	v14 =	vadd.f32 v4, v0;
	v0 =	vadd.f32 v6, v1  }
0x88: {  	v1 =	vshll.u32 v7, $0x10;
	v7 =	vadd.f32 v8, v2;
	v3 =	vadd.f32 v9, v3  }
0x89: {  	s29 =	simm.s32 $0x20;
	v15 =	vand.u32 $0xFFFF0000, v10;
	v6 =	vshll.u32 v10, $0x10;
	v2 =	vand.u32 $0xFFFF0000, v11;
	v10 =	vld [tilespmem:s26+$0x9000]  }
0x8a: {  	v9 =	vld [tilespmem:s29+$0xD000];
	v8 =	vshll.u32 v11, $0x10;
	v0 =	vsub.f32 v0, v14;
	v11 =	vsub.f32 v3, v7  }
0x8b: {  	v4 =	vand.u32 $0xFFFF0000, v12;
	v12 =	vshll.u32 v12, $0x10;
	v1 =	vsub.f32 v1, v5  }
0x8c: {  	v16 =	vsub.f32 v6, v15;
	v3 =	vld [tilespmem:s29+$0xD800];
	v6 =	vmul.f32 v0, v13;
	v13 =	vmul.f32 v11, v13  }
0x8d: {  	v17 =	vsub.f32 v8, v2;
	v18 =	vsub.f32 v12, v4;
	v11 =	vld [tilespmem:s28+$0xA000]  }
0x8e: {  	v8 =	vld [tilespmem:s29+$0xE000];
	v19 =	vmul.f32 v1, v10;
	v6 =	vadd.f32 v6, v14;
	v14 =	vadd.f32 v13, v7  }
0x8f: {  	v0 =	vand.u32 $0xFFFF0000, v9;
	v16 =	vmul.f32 v16, v10;
	v12 =	vmul.f32 v17, v10  }
0x90: {  	v7 =	vshll.u32 v9, $0x10;
	v9 =	vld [tilespmem:s29+$0xE800];
	v13 =	vmul.f32 v18, v10;
	v14 =	vsub.f32 v14, v6  }
0x91: {  	s30 =	simm.s32 $0xC0;
	v10 =	vld [tilespmem:s26+$0x9800];
	v1 =	vand.u32 $0xFFFF0000, v3;
	v5 =	vadd.f32 v5, v19;
	v15 =	vadd.f32 v15, v16  }
.LBB2_7:
0x92: {  	s10 =	sshra.s32 s30, $0x2;
	p0 =	sne.s32 s30, $0x1FC0;
	v12 =	vadd.f32 v2, v12;
	v4 =	vadd.f32 v4, v13;
	v11 =	vmul.f32 v14, v11  }
0x93: {  	v14 =	vshll.u32 v3, $0x10;
	v13 =	vld [tilespmem:s10+$0xD000];
	v2 =	vand.u32 $0xFFFF0000, v8;
	v15 =	vsub.f32 v15, v5  }
0x94: {  	v8 =	vshll.u32 v8, $0x10;
	v16 =	vld [tilespmem:s29+$0x9000];
	v17 =	vsub.f32 v4, v12;
	v6 =	vadd.f32 v11, v6  }
0x95: {  	v18 =	vsub.f32 v7, v0;
	v4 =	vand.u32 $0xFFFF0000, v9;
	v7 =	vshll.u32 v9, $0x10  }
0x96: {  	v9 =	vsub.f32 v14, v1;
	v3 =	vld [tilespmem:s10+$0xD800];
	v14 =	vmul.f32 v15, v10;
	v10 =	vmul.f32 v17, v10;
	[tilespmem:s28+$0xA800] =	vst v6;
	s28 =	smov.u32 s26;
	s26 =	smov.u32 s29;
	s29 =	smov.u32 s10  }
.Ltmp4:
0x97: {  	v15 =	vsub.f32 v8, v2;
	v17 =	vsub.f32 v7, v4;
	v11 =	vld [tilespmem:s28+$0xA000];
	(pc) =	sbr.rel @p0 .LBB2_7-.Ltmp4, $4  }
0x98: {  	v19 =	vand.u32 $0xFFFF0000, v13;
	v8 =	vld [tilespmem:s29+$0xE000];
	v6 =	vadd.f32 v14, v5;
	v5 =	vadd.f32 v10, v12  }
0x99: {  	v7 =	vshll.u32 v13, $0x10;
	v18 =	vmul.f32 v18, v16;
	v20 =	vmul.f32 v9, v16  }
0x9a: {  	v12 =	vmul.f32 v15, v16;
	v13 =	vmul.f32 v17, v16;
	v9 =	vld [tilespmem:s29+$0xE800];
	v14 =	vsub.f32 v5, v6  }
0x9b: {  	s30 =	sadd.s32 $0x40, s30;
	v10 =	vld [tilespmem:s26+$0x9800];
	v5 =	vadd.f32 v0, v18;
	v15 =	vadd.f32 v1, v20;
	v1 =	vand.u32 $0xFFFF0000, v3;
	v0 =	vmovc v19  }
0x9c: {  	v2 =	vadd.f32 v2, v12;
	v4 =	vadd.f32 v4, v13;
	v11 =	vmul.f32 v14, v11  }
0x9d: {  	v3 =	vshll.u32 v3, $0x10;
	v7 =	vsub.f32 v7, v0;
	v47 =	vsub.f32 v15, v5  }
0x9e: {  	v48 =	vld [tilespmem:s29+$0x9000];
	v46 =	vand.u32 $0xFFFF0000, v8;
	v4 =	vsub.f32 v4, v2;
	v6 =	vadd.f32 v11, v6  }
0x9f: {  	v49 =	vshll.u32 v8, $0x10;
	v3 =	vsub.f32 v3, v1;
	v50 =	vand.u32 $0xFFFF0000, v9  }
0xa0: {  	v51 =	vshll.u32 v9, $0x10;
	v13 =	vmul.f32 v47, v10;
	v4 =	vmul.f32 v4, v10;
	[tilespmem:s28+$0xA800] =	vst v6  }
0xa1: {  	v52 =	vsub.f32 v49, v46;
	v53 =	vsub.f32 v51, v50;
	v54 =	vld [tilespmem:s26+$0xA000]  }
0xa2: {  	v55 =	vadd.f32 v13, v5;
	v2 =	vadd.f32 v4, v2  }
0xa3: {  	v56 =	vmul.f32 v7, v48;
	v3 =	vmul.f32 v3, v48  }
0xa4: {  	v6 =	vmul.f32 v52, v48;
	v57 =	vmul.f32 v53, v48;
	v2 =	vsub.f32 v2, v55  }
0xa5: {  	v58 =	vld [tilespmem:s29+$0x9800];
	v59 =	vadd.f32 v0, v56;
	v60 =	vadd.f32 v1, v3  }
0xa6: {  	v61 =	vadd.f32 v46, v6;
	v62 =	vadd.f32 v50, v57;
	v2 =	vmul.f32 v2, v54  }
0xa7: {  	v1 =	vsub.f32 v60, v59  }
0xa8: {  	v4 =	vsub.f32 v62, v61;
	v2 =	vadd.f32 v2, v55;
	_ =	sdelay $0x1  }
0xa9: {  	v1 =	vmul.f32 v1, v58;
	v4 =	vmul.f32 v4, v58;
	[tilespmem:s26+$0xA800] =	vst v2  }
0xaa: {  	v2 =	vld [tilespmem:s29+$0xA000]  }
0xab: {  	v0 =	vadd.f32 v1, v59;
	v63 =	vadd.f32 v4, v61;
	_ =	sdelay $0x1  }
0xac: {  	v1 =	vsub.f32 v63, v0;
	_ =	sdelay $0x1  }
0xad: {  	p1 =	seq.s32 s23, $0xF;
	v1 =	vmul.f32 v1, v2  }
.Ltmp5:
0xae: {  	_ = 	snop;
	(pc) =	sbr.rel @p1 .LBB2_12-.Ltmp5, $4  }
.Ltmp6:
0xaf: {  	s10 =	sadd.s32 s25, s12;
	v0 =	vadd.f32 v1, v0;
	(pc) =	sbr.rel @!p1 .LBB2_11-.Ltmp6, $4  }
0xb0: {  	s10 =	sshrl.u32 s10, $0x3  }
0xb1: {  	s30 =	simm.s32 $0xA800;
	p0 =	por $0x0, $0x0;
	s10 =	sadd.s32 s1, s10;
	[tilespmem:s29+$0xA800] =	vst v0  }
0xb2: {  	[hbm4b:s10+s2] =	stream.linear.scatter [tilespmem:s30], [sflag:$0x6], $0x800, $0x38;
	[tilespmem:$0xF000] =	vst v63  }
0xb3: {  	_ = 	snop  }
.LBB2_10:
0xb4: {  	p0 =	por $0x1, $0x1  }
.LBB2_11:
0xb5: {  	s10 =	sadd.s32 s25, s13  }
0xb6: {  	s10 =	sshrl.u32 s10, $0x3  }
0xb7: {  	s28 =	sadd.s32 s4, s10  }
0xb8: {  	[tilespmem:s2], [sflag:$0x1] =	stream.linear.gather [hbm4b:s28+s2], $0x800, $0x38;
	[tilespmem:$0xF000] =	vst v63  }
0xb9: {  	s29 =	sadd.s32 s5, s10  }
0xba: {  	[tilespmem:s16], [sflag:$0x1] =	stream.linear.gather [hbm4b:s29+s2], $0x800, $0x38;
	[tilespmem:$0xF000] =	vst v63  }
0xbb: {  	s30 =	simm.s32 $0x1000;
	s10 =	sadd.s32 s6, s10  }
0xbc: {  	[tilespmem:s30], [sflag:$0x1] =	stream.linear.gather [hbm4b:s10+s2], $0x800, $0x38;
	[tilespmem:$0xF000] =	vst v63  }
.LBB2_12:
0xbd: {  	_ =	swait.ge [sflag:s9], $0x800  }
0xbe: {  	[sflag:s9] =	ssyncset.done $0x0  }
0xbf: {  	[sflag:s9] =	ssyncadd.s32 $0xFFFFF800  }
0xc0: {  	_ =	swait.ge [sflag:s9], $0x800  }
0xc1: {  	[sflag:s9] =	ssyncset.done $0x0  }
0xc2: {  	[sflag:s9] =	ssyncadd.s32 $0xFFFFF800  }
0xc3: {  	_ =	swait.ge [sflag:s9], $0x800  }
0xc4: {  	[sflag:s9] =	ssyncset.done $0x0  }
0xc5: {  	s25 =	simm.s32 $0x0;
	[sflag:s9] =	ssyncadd.s32 $0xFFFFF800  }
0xc6: {  	v0 =	vld [tilespmem:s25+$0x8800]  }
0xc7: {  	v1 =	vld [tilespmem:s25+$0x8000]  }
0xc8: {  	v2 =	vld [tilespmem:s25+$0x7800];
	_ =	sdelay $0x2  }
0xc9: {  	v0 =	vmul.f32 $6.400000000e+01, v0  }
0xca: {  	v1 =	vmul.f32 $6.400000000e+01, v1  }
0xcb: {  	v2 =	vmul.f32 $6.400000000e+01, v2;
	v0 =	vadd.f32 $6.350000000e+01, v0  }
0xcc: {  	v1 =	vadd.f32 $6.350000000e+01, v1  }
0xcd: {  	v2 =	vadd.f32 $6.350000000e+01, v2;
	v0 =	vmax.f32 v0, $0.0e+00  }
0xce: {  	v1 =	vmax.f32 v1, $0.0e+00;
	v0 =	vmin.f32 v0, $1.270000000e+02  }
0xcf: {  	v2 =	vmax.f32 v2, $0.0e+00;
	v1 =	vmin.f32 v1, $1.270000000e+02;
	v3 =	vtrunc.f32 v0  }
0xd0: {  	v2 =	vmin.f32 v2, $1.270000000e+02;
	v6 =	vtrunc.f32 v1;
	v4 =	vcvt.f32.s32 v3  }
0xd1: {  	s26 =	simm.s32 $0x10;
	s28 =	simm.s32 $0x80;
	v5 =	vtrunc.f32 v2;
	v3 =	vcvt.f32.s32 v6  }
.LBB2_13:
0xd2: {  	p1 =	sne.s32 s28, $0x1FC0;
	v6 =	vld [tilespmem:s26+$0x8800];
	v5 =	vcvt.f32.s32 v5;
	v7 =	vcvt.s32.f32 v4;
	v8 =	vadd.s32 $0x1, v4  }
0xd3: {  	v11 =	vshll.u32 v4, $0xE;
	v9 =	vld [tilespmem:s26+$0x8000];
	v10 =	vadd.s32 $0x1, v3;
	vm0 =	vlt.s32 v8, $0x7F  }
0xd4: {  	v13 =	vshll.u32 v3, $0x7;
	v12 =	vld [tilespmem:s26+$0x7800];
	vm1 =	vlt.s32 v10, $0x7F;
	v8 =	vnsel vm0, $0x7F, v8  }
0xd5: {  	v10 =	vnsel vm1, $0x7F, v10;
	v4 =	vsub.s32 v8, v4;
	v8 =	vadd.s32 v5, v13  }
0xd6: {  	v10 =	vsub.s32 v10, v3;
	v4 =	vshll.u32 v4, $0xE;
	v8 =	vadd.s32 v11, v8  }
0xd7: {  	v6 =	vmul.f32 $6.400000000e+01, v6;
	v10 =	vshll.u32 v10, $0x7;
	[tilespmem:s25+$0xB000] =	vst v8;
	v4 =	vadd.s32 v8, v4  }
0xd8: {  	v5 =	vcvt.s32.f32 v5;
	v9 =	vmul.f32 $6.400000000e+01, v9;
	[tilespmem:s25+$0xC000] =	vst v4;
	v4 =	vadd.s32 v10, v4  }
0xd9: {  	v3 =	vcvt.s32.f32 v3;
	v11 =	vmul.f32 $6.400000000e+01, v12;
	v6 =	vadd.f32 $6.350000000e+01, v6;
	[tilespmem:s25+$0xC800] =	vst v4  }
0xda: {  	v2 =	vsub.f32 v2, v5;
	v5 =	vadd.s32 v10, v8;
	v4 =	vadd.f32 $6.350000000e+01, v9  }
.Ltmp7:
0xdb: {  	v3 =	vsub.f32 v1, v3;
	v8 =	vadd.f32 $6.350000000e+01, v11;
	v6 =	vmax.f32 v6, $0.0e+00;
	[tilespmem:s25+$0xB800] =	vst v5;
	(pc) =	sbr.rel @p1 .LBB2_13-.Ltmp7, $4  }
0xdc: {  	v5 =	vsub.f32 v0, v7;
	v1 =	vmax.f32 v4, $0.0e+00;
	[tilespmem:s25+$0x9000] =	vst v2;
	v0 =	vmin.f32 v6, $1.270000000e+02  }
0xdd: {  	v2 =	vmax.f32 v8, $0.0e+00;
	v1 =	vmin.f32 v1, $1.270000000e+02;
	v4 =	vtrunc.f32 v0;
	[tilespmem:s25+$0x9800] =	vst v3  }
0xde: {  	v2 =	vmin.f32 v2, $1.270000000e+02;
	v3 =	vtrunc.f32 v1;
	v4 =	vcvt.f32.s32 v4;
	[tilespmem:s25+$0xA000] =	vst v5;
	s25 =	smov.u32 s26  }
0xdf: {  	s26 =	sshra.s32 s28, $0x2;
	s28 =	sadd.s32 $0x40, s28;
	v5 =	vtrunc.f32 v2;
	v3 =	vcvt.f32.s32 v3  }
0xe0: {  	v6 =	vld [tilespmem:s26+$0x8800];
	v5 =	vcvt.f32.s32 v5;
	v7 =	vcvt.s32.f32 v4  }
0xe1: {  	v8 =	vadd.s32 $0x1, v4;
	v9 =	vld [tilespmem:s26+$0x8000];
	v11 =	vshll.u32 v4, $0xE;
	v10 =	vadd.s32 $0x1, v3  }
0xe2: {  	v12 =	vld [tilespmem:s26+$0x7800];
	vm0 =	vlt.s32 v8, $0x7F;
	v13 =	vshll.u32 v3, $0x7;
	vm1 =	vlt.s32 v10, $0x7F  }
0xe3: {  	v8 =	vnsel vm0, $0x7F, v8;
	v0 =	vsub.f32 v0, v7;
	v10 =	vnsel vm1, $0x7F, v10  }
0xe4: {  	v4 =	vsub.s32 v8, v4;
	v8 =	vadd.s32 v5, v13;
	v5 =	vcvt.s32.f32 v5  }
0xe5: {  	v10 =	vsub.s32 v10, v3;
	v4 =	vshll.u32 v4, $0xE;
	v6 =	vmul.f32 $6.400000000e+01, v6  }
0xe6: {  	v8 =	vadd.s32 v11, v8;
	v3 =	vcvt.s32.f32 v3;
	v9 =	vmul.f32 $6.400000000e+01, v9  }
0xe7: {  	v10 =	vshll.u32 v10, $0x7;
	v11 =	vmul.f32 $6.400000000e+01, v12;
	v6 =	vadd.f32 $6.350000000e+01, v6  }
0xe8: {  	v4 =	vadd.s32 v8, v4;
	v2 =	vsub.f32 v2, v5;
	v9 =	vadd.f32 $6.350000000e+01, v9  }
0xe9: {  	v12 =	vadd.s32 v10, v4;
	v5 =	vadd.f32 $6.350000000e+01, v11;
	v6 =	vmax.f32 v6, $0.0e+00  }
0xea: {  	v10 =	vadd.s32 v10, v8;
	v9 =	vmax.f32 v9, $0.0e+00;
	v6 =	vmin.f32 v6, $1.270000000e+02  }
0xeb: {  	v5 =	vmax.f32 v5, $0.0e+00;
	v9 =	vmin.f32 v9, $1.270000000e+02;
	v11 =	vtrunc.f32 v6  }
0xec: {  	[tilespmem:s25+$0xB000] =	vst v8;
	v5 =	vmin.f32 v5, $1.270000000e+02;
	v8 =	vtrunc.f32 v9;
	v11 =	vcvt.f32.s32 v11  }
0xed: {  	[tilespmem:s25+$0xC000] =	vst v4;
	v1 =	vsub.f32 v1, v3;
	v3 =	vtrunc.f32 v5;
	v4 =	vcvt.f32.s32 v8  }
0xee: {  	[tilespmem:s25+$0xA000] =	vst v0;
	v3 =	vcvt.f32.s32 v3;
	v7 =	vadd.s32 $0x1, v11  }
0xef: {  	[tilespmem:s25+$0xB800] =	vst v10;
	v8 =	vadd.s32 $0x1, v4;
	v10 =	vshll.u32 v11, $0xE;
	vm14 =	vlt.s32 v7, $0x7F  }
0xf0: {  	[tilespmem:s25+$0x9000] =	vst v2;
	vm15 =	vlt.s32 v8, $0x7F;
	v2 =	vnsel vm14, $0x7F, v7;
	v7 =	vshll.u32 v4, $0x7  }
0xf1: {  	[tilespmem:s25+$0x9800] =	vst v1;
	v1 =	vnsel vm15, $0x7F, v8;
	v2 =	vsub.s32 v2, v11;
	v7 =	vadd.s32 v3, v7  }
0xf2: {  	[tilespmem:s25+$0xC800] =	vst v12;
	v0 =	vsub.s32 v1, v4;
	v1 =	vshll.u32 v2, $0xE;
	v2 =	vadd.s32 v10, v7  }
0xf3: {  	v4 =	vcvt.s32.f32 v4;
	v0 =	vshll.u32 v0, $0x7;
	[tilespmem:s26+$0xB000] =	vst v2;
	v1 =	vadd.s32 v2, v1  }
0xf4: {  	v3 =	vcvt.s32.f32 v3;
	[tilespmem:s26+$0xC000] =	vst v1;
	v1 =	vadd.s32 v0, v1  }
0xf5: {  	v7 =	vcvt.s32.f32 v11;
	v0 =	vadd.s32 v0, v2;
	v2 =	vsub.f32 v9, v4;
	[tilespmem:s26+$0xC800] =	vst v1  }
0xf6: {  	v1 =	vsub.f32 v5, v3;
	[tilespmem:s26+$0xB800] =	vst v0  }
0xf7: {  	v0 =	vsub.f32 v6, v7;
	[tilespmem:s26+$0x9800] =	vst v2  }
0xf8: {  	[tilespmem:s26+$0x9000] =	vst v1  }
0xf9: {  	s10 =	simm.s32 $0xB000;
	[tilespmem:s26+$0xA000] =	vst v0  }
0xfa: {  	[tilespmem:s11], [sflag:$0x4] =	stream.indirect.gather [hbm4b:s8+s16], $0x1, s10, s16, $0xb8;
	[tilespmem:$0xF000] =	vst v63  }
0xfb: {  	_ = 	snop  }
0xfc: {  	[tilespmem:s15], [sflag:$0x4] =	stream.indirect.gather [hbm4b:s8+s16], $0x1, s14, s16, $0xb8;
	[tilespmem:$0xF000] =	vst v63  }
0xfd: {  	_ = 	snop  }
0xfe: {  	[tilespmem:s3], [sflag:$0x4] =	stream.indirect.gather [hbm4b:s8+s16], $0x1, s17, s16, $0xb8;
	[tilespmem:$0xF000] =	vst v63  }
0xff: {  	_ = 	snop  }
0x100: {  	[tilespmem:s19], [sflag:$0x4] =	stream.indirect.gather [hbm4b:s8+s16], $0x1, s18, s16, $0xb8;
	[tilespmem:$0xF000] =	vst v63  }
0x101: {  	_ =	swait.ge [sflag:s20], $0x800  }
0x102: {  	[sflag:s20] =	ssyncset.done $0x0  }
0x103: {  	[sflag:s20] =	ssyncadd.s32 $0xFFFFF800  }
0x104: {  	_ =	swait.ge [sflag:s20], $0x800  }
0x105: {  	[sflag:s20] =	ssyncset.done $0x0  }
0x106: {  	[sflag:s20] =	ssyncadd.s32 $0xFFFFF800  }
0x107: {  	_ =	swait.ge [sflag:s20], $0x800  }
0x108: {  	[sflag:s20] =	ssyncset.done $0x0  }
0x109: {  	[sflag:s20] =	ssyncadd.s32 $0xFFFFF800  }
0x10a: {  	_ =	swait.ge [sflag:s20], $0x800  }
0x10b: {  	[sflag:s20] =	ssyncset.done $0x0  }
0x10c: {  	s10 =	simm.s32 @!p0 $0x5;
	[sflag:s20] =	ssyncadd.s32 $0xFFFFF800  }
0x10d: {  	_ =	swait.ge @!p0 [sflag:s10], $0x800  }
0x10e: {  	[sflag:s10] =	ssyncset.done @!p0 $0x0  }
0x10f: {  	s26 =	simm.s32 $0x0;
	[sflag:s10] =	ssyncadd.s32 @!p0 $0xFFFFF800  }
0x110: {  	v0 =	vld [tilespmem:s26+$0x5800]  }
0x111: {  	v1 =	vld [tilespmem:s26+$0x6000]  }
0x112: {  	v2 =	vld [tilespmem:s26+$0x6800]  }
0x113: {  	v3 =	vld [tilespmem:s26+$0x7000];
	_ =	sdelay $0x2  }
0x114: {  	v5 =	vld [tilespmem:s26+$0x1800];
	v4 =	vand.u32 $0xFFFF0000, v0  }
0x115: {  	s25 =	simm.s32 $0x10;
	v0 =	vshll.u32 v0, $0x10;
	v6 =	vand.u32 $0xFFFF0000, v1;
	v1 =	vshll.u32 v1, $0x10  }
0x116: {  	v7 =	vld [tilespmem:s25+$0x5800];
	v8 =	vand.u32 $0xFFFF0000, v2;
	v2 =	vshll.u32 v2, $0x10;
	v9 =	vand.u32 $0xFFFF0000, v3  }
0x117: {  	v10 =	vld [tilespmem:s25+$0x6000];
	v3 =	vshll.u32 v3, $0x10;
	v0 =	vsub.f32 v0, v4;
	v1 =	vsub.f32 v1, v6  }
0x118: {  	v11 =	vld [tilespmem:s25+$0x6800];
	v2 =	vsub.f32 v2, v8;
	v3 =	vsub.f32 v3, v9  }
0x119: {  	v0 =	vmul.f32 v0, v5;
	v1 =	vmul.f32 v1, v5  }
0x11a: {  	v12 =	vld [tilespmem:s25+$0x7000];
	v2 =	vmul.f32 v2, v5;
	v3 =	vmul.f32 v3, v5  }
0x11b: {  	v13 =	vld [tilespmem:s26+$0x2000];
	v5 =	vand.u32 $0xFFFF0000, v7;
	v14 =	vadd.f32 v4, v0;
	v0 =	vadd.f32 v6, v1  }
0x11c: {  	v1 =	vshll.u32 v7, $0x10;
	v7 =	vadd.f32 v8, v2;
	v3 =	vadd.f32 v9, v3  }
0x11d: {  	s28 =	simm.s32 $0x20;
	v15 =	vand.u32 $0xFFFF0000, v10;
	v6 =	vshll.u32 v10, $0x10;
	v2 =	vand.u32 $0xFFFF0000, v11;
	v10 =	vld [tilespmem:s25+$0x1800]  }
0x11e: {  	v9 =	vld [tilespmem:s28+$0x5800];
	v8 =	vshll.u32 v11, $0x10;
	v0 =	vsub.f32 v0, v14;
	v11 =	vsub.f32 v3, v7  }
0x11f: {  	v4 =	vand.u32 $0xFFFF0000, v12;
	v12 =	vshll.u32 v12, $0x10;
	v1 =	vsub.f32 v1, v5  }
0x120: {  	v16 =	vsub.f32 v6, v15;
	v3 =	vld [tilespmem:s28+$0x6000];
	v6 =	vmul.f32 v0, v13;
	v13 =	vmul.f32 v11, v13  }
0x121: {  	v17 =	vsub.f32 v8, v2;
	v18 =	vsub.f32 v12, v4;
	v11 =	vld [tilespmem:s26+$0x2800]  }
0x122: {  	v8 =	vld [tilespmem:s28+$0x6800];
	v19 =	vmul.f32 v1, v10;
	v6 =	vadd.f32 v6, v14;
	v14 =	vadd.f32 v13, v7  }
0x123: {  	v0 =	vand.u32 $0xFFFF0000, v9;
	v16 =	vmul.f32 v16, v10;
	v12 =	vmul.f32 v17, v10  }
0x124: {  	v7 =	vshll.u32 v9, $0x10;
	v9 =	vld [tilespmem:s28+$0x7000];
	v13 =	vmul.f32 v18, v10;
	v14 =	vsub.f32 v14, v6  }
0x125: {  	s29 =	simm.s32 $0xC0;
	v10 =	vld [tilespmem:s25+$0x2000];
	v1 =	vand.u32 $0xFFFF0000, v3;
	v5 =	vadd.f32 v5, v19;
	v15 =	vadd.f32 v15, v16  }
.LBB2_15:
0x126: {  	s10 =	sshra.s32 s29, $0x2;
	p0 =	sne.s32 s29, $0x1FC0;
	v12 =	vadd.f32 v2, v12;
	v4 =	vadd.f32 v4, v13;
	v11 =	vmul.f32 v14, v11  }
0x127: {  	v14 =	vshll.u32 v3, $0x10;
	v13 =	vld [tilespmem:s10+$0x5800];
	v2 =	vand.u32 $0xFFFF0000, v8;
	v15 =	vsub.f32 v15, v5  }
0x128: {  	v8 =	vshll.u32 v8, $0x10;
	v16 =	vld [tilespmem:s28+$0x1800];
	v17 =	vsub.f32 v4, v12;
	v6 =	vadd.f32 v11, v6  }
0x129: {  	v18 =	vsub.f32 v7, v0;
	v4 =	vand.u32 $0xFFFF0000, v9;
	v7 =	vshll.u32 v9, $0x10  }
0x12a: {  	v9 =	vsub.f32 v14, v1;
	v3 =	vld [tilespmem:s10+$0x6000];
	v14 =	vmul.f32 v15, v10;
	v10 =	vmul.f32 v17, v10;
	[tilespmem:s26+$0x3000] =	vst v6;
	s26 =	smov.u32 s25;
	s25 =	smov.u32 s28;
	s28 =	smov.u32 s10  }
.Ltmp8:
0x12b: {  	v15 =	vsub.f32 v8, v2;
	v17 =	vsub.f32 v7, v4;
	v11 =	vld [tilespmem:s26+$0x2800];
	(pc) =	sbr.rel @p0 .LBB2_15-.Ltmp8, $4  }
0x12c: {  	v19 =	vand.u32 $0xFFFF0000, v13;
	v8 =	vld [tilespmem:s28+$0x6800];
	v6 =	vadd.f32 v14, v5;
	v5 =	vadd.f32 v10, v12  }
0x12d: {  	v7 =	vshll.u32 v13, $0x10;
	v18 =	vmul.f32 v18, v16;
	v20 =	vmul.f32 v9, v16  }
0x12e: {  	v12 =	vmul.f32 v15, v16;
	v13 =	vmul.f32 v17, v16;
	v9 =	vld [tilespmem:s28+$0x7000];
	v14 =	vsub.f32 v5, v6  }
0x12f: {  	s29 =	sadd.s32 $0x40, s29;
	v10 =	vld [tilespmem:s25+$0x2000];
	v5 =	vadd.f32 v0, v18;
	v15 =	vadd.f32 v1, v20;
	v1 =	vand.u32 $0xFFFF0000, v3;
	v0 =	vmovc v19  }
0x130: {  	v2 =	vadd.f32 v2, v12;
	v4 =	vadd.f32 v4, v13;
	v11 =	vmul.f32 v14, v11  }
0x131: {  	v3 =	vshll.u32 v3, $0x10;
	v7 =	vsub.f32 v7, v0;
	v47 =	vsub.f32 v15, v5  }
0x132: {  	v48 =	vld [tilespmem:s28+$0x1800];
	v46 =	vand.u32 $0xFFFF0000, v8;
	v4 =	vsub.f32 v4, v2;
	v6 =	vadd.f32 v11, v6  }
0x133: {  	v49 =	vshll.u32 v8, $0x10;
	v3 =	vsub.f32 v3, v1;
	v50 =	vand.u32 $0xFFFF0000, v9  }
0x134: {  	v51 =	vshll.u32 v9, $0x10;
	v13 =	vmul.f32 v47, v10;
	v4 =	vmul.f32 v4, v10;
	[tilespmem:s26+$0x3000] =	vst v6  }
0x135: {  	v52 =	vsub.f32 v49, v46;
	v53 =	vsub.f32 v51, v50;
	v54 =	vld [tilespmem:s25+$0x2800]  }
0x136: {  	v55 =	vadd.f32 v13, v5;
	v2 =	vadd.f32 v4, v2  }
0x137: {  	v56 =	vmul.f32 v7, v48;
	v3 =	vmul.f32 v3, v48  }
0x138: {  	v6 =	vmul.f32 v52, v48;
	v57 =	vmul.f32 v53, v48;
	v2 =	vsub.f32 v2, v55  }
0x139: {  	v58 =	vld [tilespmem:s28+$0x2000];
	v59 =	vadd.f32 v0, v56;
	v60 =	vadd.f32 v1, v3  }
0x13a: {  	v61 =	vadd.f32 v46, v6;
	v62 =	vadd.f32 v50, v57;
	v2 =	vmul.f32 v2, v54  }
0x13b: {  	v1 =	vsub.f32 v60, v59  }
0x13c: {  	v4 =	vsub.f32 v62, v61;
	v2 =	vadd.f32 v2, v55;
	_ =	sdelay $0x1  }
0x13d: {  	v1 =	vmul.f32 v1, v58;
	v4 =	vmul.f32 v4, v58;
	[tilespmem:s25+$0x3000] =	vst v2  }
0x13e: {  	v2 =	vld [tilespmem:s28+$0x2800]  }
0x13f: {  	v0 =	vadd.f32 v1, v59;
	v63 =	vadd.f32 v4, v61;
	_ =	sdelay $0x1  }
0x140: {  	v1 =	vsub.f32 v63, v0  }
0x141: {  	s23 =	sadd.s32 $0x1, s23  }
0x142: {  	p0 =	sne.s32 s23, $0x10;
	v1 =	vmul.f32 v1, v2  }
.Ltmp9:
0x143: {  	_ = 	snop;
	(pc) =	sbr.rel @p0 .LBB2_2-.Ltmp9, $3  }
0x144: {  	v0 =	vadd.f32 v1, v0;
	_ =	sdelay $0x1  }
0x145: {  	s10 =	sadd.s32 s1, s24;
	[tilespmem:s28+$0x3000] =	vst v0  }
0x146: {  	[hbm4b:s10+s2] =	stream.linear.scatter [tilespmem:s22], [sflag:$0x5], $0x800, $0x38;
	[tilespmem:$0xF000] =	vst v63  }
0x147: {  	_ =	swait.ge [sflag:s0], $0x800  }
0x148: {  	[sflag:s0] =	ssyncset.done $0x0  }
0x149: {  	[sflag:s0] =	ssyncadd.s32 $0xFFFFF800  }
0x14a: {  	_ =	swait.ge [sflag:s0], $0x800  }
0x14b: {  	[sflag:s0] =	ssyncset.done $0x0  }
0x14c: {  	[sflag:s0] =	ssyncadd.s32 $0xFFFFF800  }
0x14d: {  	_ =	swait.ge [sflag:s0], $0x800  }
0x14e: {  	[sflag:s0] =	ssyncset.done $0x0  }
0x14f: {  	[sflag:s0] =	ssyncadd.s32 $0xFFFFF800  }
0x150: {  	_ =	swait.ge [sflag:s0], $0x800  }
0x151: {  	[sflag:s0] =	ssyncset.done $0x0  }
0x152: {  	[sflag:s0] =	ssyncadd.s32 $0xFFFFF800  }
0x153: {  	_ =	swait.ge [sflag:s31], $0x800  }
0x154: {  	[sflag:s31] =	ssyncset.done $0x0  }
0x155: {  	s24 =	simm.s32 $0x0;
	[sflag:s31] =	ssyncadd.s32 $0xFFFFF800  }
0x156: {  	v0 =	vld [tilespmem:s24+$0xD000]  }
0x157: {  	v1 =	vld [tilespmem:s24+$0xD800]  }
0x158: {  	v2 =	vld [tilespmem:s24+$0xE000]  }
0x159: {  	v3 =	vld [tilespmem:s24+$0xE800];
	_ =	sdelay $0x2  }
0x15a: {  	v5 =	vld [tilespmem:s24+$0x9000];
	v4 =	vand.u32 $0xFFFF0000, v0  }
0x15b: {  	s23 =	simm.s32 $0x10;
	v0 =	vshll.u32 v0, $0x10;
	v6 =	vand.u32 $0xFFFF0000, v1;
	v1 =	vshll.u32 v1, $0x10  }
0x15c: {  	v7 =	vld [tilespmem:s23+$0xD000];
	v8 =	vand.u32 $0xFFFF0000, v2;
	v2 =	vshll.u32 v2, $0x10;
	v9 =	vand.u32 $0xFFFF0000, v3  }
0x15d: {  	v10 =	vld [tilespmem:s23+$0xD800];
	v3 =	vshll.u32 v3, $0x10;
	v0 =	vsub.f32 v0, v4;
	v1 =	vsub.f32 v1, v6  }
0x15e: {  	v11 =	vld [tilespmem:s23+$0xE000];
	v2 =	vsub.f32 v2, v8;
	v3 =	vsub.f32 v3, v9  }
0x15f: {  	v0 =	vmul.f32 v0, v5;
	v1 =	vmul.f32 v1, v5  }
0x160: {  	v12 =	vld [tilespmem:s23+$0xE800];
	v2 =	vmul.f32 v2, v5;
	v3 =	vmul.f32 v3, v5  }
0x161: {  	v13 =	vld [tilespmem:s24+$0x9800];
	v5 =	vand.u32 $0xFFFF0000, v7;
	v14 =	vadd.f32 v4, v0;
	v0 =	vadd.f32 v6, v1  }
0x162: {  	v1 =	vshll.u32 v7, $0x10;
	v7 =	vadd.f32 v8, v2;
	v3 =	vadd.f32 v9, v3  }
0x163: {  	s25 =	simm.s32 $0x20;
	v15 =	vand.u32 $0xFFFF0000, v10;
	v6 =	vshll.u32 v10, $0x10;
	v2 =	vand.u32 $0xFFFF0000, v11;
	v10 =	vld [tilespmem:s23+$0x9000]  }
0x164: {  	v9 =	vld [tilespmem:s25+$0xD000];
	v8 =	vshll.u32 v11, $0x10;
	v0 =	vsub.f32 v0, v14;
	v11 =	vsub.f32 v3, v7  }
0x165: {  	v4 =	vand.u32 $0xFFFF0000, v12;
	v12 =	vshll.u32 v12, $0x10;
	v1 =	vsub.f32 v1, v5  }
0x166: {  	v16 =	vsub.f32 v6, v15;
	v3 =	vld [tilespmem:s25+$0xD800];
	v6 =	vmul.f32 v0, v13;
	v13 =	vmul.f32 v11, v13  }
0x167: {  	v17 =	vsub.f32 v8, v2;
	v18 =	vsub.f32 v12, v4;
	v11 =	vld [tilespmem:s24+$0xA000]  }
0x168: {  	v8 =	vld [tilespmem:s25+$0xE000];
	v19 =	vmul.f32 v1, v10;
	v6 =	vadd.f32 v6, v14;
	v14 =	vadd.f32 v13, v7  }
0x169: {  	v0 =	vand.u32 $0xFFFF0000, v9;
	v16 =	vmul.f32 v16, v10;
	v12 =	vmul.f32 v17, v10  }
0x16a: {  	v7 =	vshll.u32 v9, $0x10;
	v9 =	vld [tilespmem:s25+$0xE800];
	v13 =	vmul.f32 v18, v10;
	v14 =	vsub.f32 v14, v6  }
0x16b: {  	s26 =	simm.s32 $0xC0;
	v10 =	vld [tilespmem:s23+$0x9800];
	v1 =	vand.u32 $0xFFFF0000, v3;
	v5 =	vadd.f32 v5, v19;
	v15 =	vadd.f32 v15, v16  }
.LBB2_18:
0x16c: {  	s10 =	sshra.s32 s26, $0x2;
	p0 =	sne.s32 s26, $0x1FC0;
	v12 =	vadd.f32 v2, v12;
	v4 =	vadd.f32 v4, v13;
	v11 =	vmul.f32 v14, v11  }
0x16d: {  	v14 =	vshll.u32 v3, $0x10;
	v13 =	vld [tilespmem:s10+$0xD000];
	v2 =	vand.u32 $0xFFFF0000, v8;
	v15 =	vsub.f32 v15, v5  }
0x16e: {  	v8 =	vshll.u32 v8, $0x10;
	v16 =	vld [tilespmem:s25+$0x9000];
	v17 =	vsub.f32 v4, v12;
	v6 =	vadd.f32 v11, v6  }
0x16f: {  	v18 =	vsub.f32 v7, v0;
	v4 =	vand.u32 $0xFFFF0000, v9;
	v7 =	vshll.u32 v9, $0x10  }
0x170: {  	v9 =	vsub.f32 v14, v1;
	v3 =	vld [tilespmem:s10+$0xD800];
	v14 =	vmul.f32 v15, v10;
	v10 =	vmul.f32 v17, v10;
	[tilespmem:s24+$0xA800] =	vst v6;
	s24 =	smov.u32 s23;
	s23 =	smov.u32 s25;
	s25 =	smov.u32 s10  }
.Ltmp10:
0x171: {  	v15 =	vsub.f32 v8, v2;
	v17 =	vsub.f32 v7, v4;
	v11 =	vld [tilespmem:s24+$0xA000];
	(pc) =	sbr.rel @p0 .LBB2_18-.Ltmp10, $4  }
0x172: {  	v19 =	vand.u32 $0xFFFF0000, v13;
	v8 =	vld [tilespmem:s25+$0xE000];
	v6 =	vadd.f32 v14, v5;
	v5 =	vadd.f32 v10, v12  }
0x173: {  	v7 =	vshll.u32 v13, $0x10;
	v18 =	vmul.f32 v18, v16;
	v20 =	vmul.f32 v9, v16  }
0x174: {  	v12 =	vmul.f32 v15, v16;
	v13 =	vmul.f32 v17, v16;
	v9 =	vld [tilespmem:s25+$0xE800];
	v14 =	vsub.f32 v5, v6  }
0x175: {  	s26 =	sadd.s32 $0x40, s26;
	v10 =	vld [tilespmem:s23+$0x9800];
	v5 =	vadd.f32 v0, v18;
	v15 =	vadd.f32 v1, v20;
	v1 =	vand.u32 $0xFFFF0000, v3;
	v0 =	vmovc v19  }
0x176: {  	v2 =	vadd.f32 v2, v12;
	v4 =	vadd.f32 v4, v13;
	v11 =	vmul.f32 v14, v11  }
0x177: {  	v3 =	vshll.u32 v3, $0x10;
	v7 =	vsub.f32 v7, v0;
	v47 =	vsub.f32 v15, v5  }
0x178: {  	v48 =	vld [tilespmem:s25+$0x9000];
	v46 =	vand.u32 $0xFFFF0000, v8;
	v4 =	vsub.f32 v4, v2;
	v6 =	vadd.f32 v11, v6  }
0x179: {  	v49 =	vshll.u32 v8, $0x10;
	v3 =	vsub.f32 v3, v1;
	v50 =	vand.u32 $0xFFFF0000, v9  }
0x17a: {  	v51 =	vshll.u32 v9, $0x10;
	v13 =	vmul.f32 v47, v10;
	v4 =	vmul.f32 v4, v10;
	[tilespmem:s24+$0xA800] =	vst v6  }
0x17b: {  	v52 =	vsub.f32 v49, v46;
	v53 =	vsub.f32 v51, v50;
	v54 =	vld [tilespmem:s23+$0xA000]  }
0x17c: {  	v55 =	vadd.f32 v13, v5;
	v2 =	vadd.f32 v4, v2  }
0x17d: {  	v56 =	vmul.f32 v7, v48;
	v3 =	vmul.f32 v3, v48  }
0x17e: {  	v6 =	vmul.f32 v52, v48;
	v57 =	vmul.f32 v53, v48;
	v2 =	vsub.f32 v2, v55  }
0x17f: {  	v58 =	vld [tilespmem:s25+$0x9800];
	v59 =	vadd.f32 v0, v56;
	v60 =	vadd.f32 v1, v3  }
0x180: {  	v61 =	vadd.f32 v46, v6;
	v62 =	vadd.f32 v50, v57;
	v2 =	vmul.f32 v2, v54  }
0x181: {  	v1 =	vsub.f32 v60, v59  }
0x182: {  	v4 =	vsub.f32 v62, v61;
	v2 =	vadd.f32 v2, v55;
	_ =	sdelay $0x1  }
0x183: {  	v1 =	vmul.f32 v1, v58;
	v4 =	vmul.f32 v4, v58;
	[tilespmem:s23+$0xA800] =	vst v2  }
0x184: {  	v2 =	vld [tilespmem:s25+$0xA000]  }
0x185: {  	v0 =	vadd.f32 v1, v59;
	v63 =	vadd.f32 v4, v61;
	_ =	sdelay $0x1  }
0x186: {  	v1 =	vsub.f32 v63, v0;
	_ =	sdelay $0x1  }
0x187: {  	v1 =	vmul.f32 v1, v2;
	_ =	sdelay $0x1  }
0x188: {  	v0 =	vadd.f32 v1, v0;
	_ =	sdelay $0x1  }
0x189: {  	s10 =	rddreg [dreg:$0x6];
	s26 =	simm.s32 $0xA800;
	s28 =	simm.s32 $0x5;
	[tilespmem:s25+$0xA800] =	vst v0  }
0x18a: {  	[hbm4b:s10+s2] =	stream.linear.scatter [tilespmem:s26], [sflag:$0x6], $0x800, $0x38;
	[tilespmem:$0xF000] =	vst v63  }
0x18b: {  	_ =	swait.ge [sflag:s28], $0x800  }
0x18c: {  	[sflag:s28] =	ssyncset.done $0x0  }
0x18d: {  	[sflag:s28] =	ssyncadd.s32 $0xFFFFF800  }
0x18e: {  	_ =	swait.ge [sflag:s31], $0x800  }
0x18f: {  	s29 =	rddreg [dreg:$0x8]  }
0x190: {  	s30 =	rddreg [dreg:$0x7];
	s23 =	sadd.s32 $0x1, s29  }
0x191: {  	p0 =	sne.s32 s23, s30  }
.Ltmp11:
0x192: {  	_ = 	snop;
	(pc) =	sbr.rel @p0 .LBB2_1-.Ltmp11, $3  }
0x193: {  	_ =	sdelay $0x1  }
0x194: {  	[sflag:s31] =	ssyncset.done $0x0  }
0x195: {  	[sflag:s31] =	ssyncadd.s32 $0xFFFFF800  }
0x196: {  	_ =	sfence.sel $0x180000  }
0x197: {  	[bflag:$0x0] =	sbarrier.arrive $0xFFFF  }
0x198: {  	_ =	strace $0x90000047  }
0x199: {  	s0 =	stileid.u32;
	[bflag:$0x2] =	sbarrier.arrive $0xFFFF  }
0x19a: {  	p0 =	sne.s32 s0, $0x0;
	s0 =	rddreg [dreg:$0x2]  }
0x19b: {  	s0 =	sadd.s32 @!p0 $0x100000, s0  }
0x19c: {  	[sflag:s0] =	ssyncadd.tile.s32 @!p0 $0x1;
	_ =	shalt  }
.Lfunc_end2:
_tile_overlayer_lowered:
.L_overlay_start_2:
0x19d: {  	(tag) =	ssettag $0x2  }
0x19e: {  	s0 =	rddreg [dreg:$0x0];
	s2 =	stileid.u32  }
0x19f: {  	s1 =	rddreg [dreg:$0x1];
	p0 =	sne.s32 s2, $0x0  }
0x1a0: {  	s3 =	rddreg [dreg:$0x2];
	[bflag:$0x3] =	sbarrier.arrive $0xFFFF;
	s2 =	simm.s32 @!p0 $0x1C07  }
0x1a1: {  	[timem:s3], [sflag:s2] =	dma.local @!p0 [hbm:s0], s1  }
0x1a2: {  	s0 =	simm.s32 @!p0 $0x7  }
0x1a3: {  	_ =	swait.ge @!p0 [sflag:s0], s1  }
0x1a4: {  	s1 =	ssub.s32 @!p0 $0x0, s1;
	[sflag:s0] =	ssyncset.done @!p0 $0x0  }
0x1a5: {  	[sflag:s0] =	ssyncadd.s32 @!p0 s1  }
0x1a6: {  	[bflag:$0x3] =	sbarrier.arrive $0xFFFF  }
0x1a7: {  	_ =	shalt  }

</sc_bundles>
